<compile_context>
chip_gen: v7x
topology: tpu7x:2x2x1
jax: 0.10.2.dev20260603
libtpu: 0.0.44.dev20260713+nightly
codegen_flags: <defaults>
</compile_context>

<pallas_src>
import functools

import jax
import jax.numpy as jnp
import numpy as np
from jax import lax
from jax.experimental import pallas as pl
from jax.experimental.pallas import tpu as pltpu
from jax.experimental.pallas import tpu_sc as plsc

_N = 1024
_B = 512
_L = 16

_OMU = float(np.float32(1.0) - np.array(1064475214, np.uint32).view(np.float32))


def _detect_body(posT, pos, rr, mr, rmc, rec_ref, lt_ref):
    g = pl.program_id(0)
    i0 = g * _B
    jj = lax.broadcasted_iota(jnp.int32, (_B, _N), 1)
    ii = i0 + lax.broadcasted_iota(jnp.int32, (_B, _N), 0)

    @pl.when(g == 0)
    def _():
        rows = lax.broadcasted_iota(jnp.int32, (_N, _N), 0)
        cols = lax.broadcasted_iota(jnp.int32, (_N, _N), 1)
        lt_ref[...] = (rows <= cols).astype(jnp.bfloat16)

    px_row = posT[0:1, :]
    py_row = posT[1:2, :]
    px_col = pos[:, 0:1]
    py_col = pos[:, 1:2]

    dx = px_row - px_col
    dy = py_row - py_col
    dd = (dx * dx + dy * dy) + 1e-12
    dist = jnp.sqrt(dd)
    rc = rmc[:, 0:1]
    mc = rmc[:, 1:2]
    pen = (rc + rr[...]) - dist
    mask = (pen > 0.0) & (jj < ii)

    k = lax.dot_general(
        mask.astype(jnp.bfloat16), lt_ref[...],
        (((1,), (0,)), ((), ())), preferred_element_type=jnp.float32)

    cnt = k[:, _N - 1:_N]
    cnt_f = jnp.maximum(cnt, 1.0)
    q = 1.0 / cnt_f
    r = (cnt_f * q) * _OMU
    m0 = jnp.floor(r / q)
    mstar = m0 + 2.0
    for cand in (m0 + 1.0, m0, jnp.maximum(m0 - 1.0, 1.0)):
        mstar = jnp.where((cand * q) >= r, cand, mstar)
    mstar = jnp.minimum(jnp.maximum(mstar, 1.0), cnt_f)
    onehot = (k == mstar) & mask
    ohf = onehot.astype(jnp.float32)

    jsel = jnp.sum(onehot.astype(jnp.int32) * jj, axis=1, keepdims=True)
    dxs = jnp.sum(ohf * dx, axis=1, keepdims=True)
    dys = jnp.sum(ohf * dy, axis=1, keepdims=True)
    dists = jnp.sum(ohf * dist, axis=1, keepdims=True)
    pens = jnp.sum(ohf * pen, axis=1, keepdims=True)
    imr = 1.0 / mr[...]
    imj = jnp.sum(ohf * imr, axis=1, keepdims=True)
    imi = 1.0 / mc

    dists = jnp.where(dists > 0.0, dists, 1.0)
    pvx = dxs / dists * pens
    pvy = dys / dists * pens
    nden = jnp.sqrt(pvx * pvx + pvy * pvy) + 1e-12
    nxv = pvx / nden
    nyv = pvy / nden
    s = imi + imj
    avi = 1.5 * imi / s
    avj = 1.5 * imj / s
    corrx = (0.8 * pvx) / s
    corry = (0.8 * pvy) / s

    z = jnp.zeros((_B, 1), jnp.float32)
    rec = jnp.concatenate(
        [-(corrx * imi), -(corry * imi), avi * nxv, avi * nyv,
         corrx * imj, corry * imj, -(avj * nxv), -(avj * nyv),
         -nxv, -nyv, nxv, nyv,
         jsel.astype(jnp.float32), (cnt > 0.0).astype(jnp.float32),
         z, z], axis=1)
    rec_ref[...] = rec


def _detect(posT, pos, radii, masses):
    row2 = pl.BlockSpec((2, _N), lambda g: (0, 0))
    row1 = pl.BlockSpec((1, _N), lambda g: (0, 0))
    col2 = pl.BlockSpec((_B, 2), lambda g: (g, 0))
    col1 = pl.BlockSpec((_B, 1), lambda g: (g, 0))
    outw = pl.BlockSpec((_B, _L), lambda g: (g, 0))
    fw = jax.ShapeDtypeStruct((_N, _L), jnp.float32)
    rm = jnp.concatenate([radii[:, None], masses[:, None]], axis=1)
    return pl.pallas_call(
        _detect_body,
        grid=(_N // _B,),
        in_specs=[row2, col2, row1, row1, col2],
        out_specs=[outw],
        out_shape=[fw],
        scratch_shapes=[pltpu.VMEM((_N, _N), jnp.bfloat16)],
    )(posT, pos, radii.reshape(1, _N), masses.reshape(1, _N), rm)[0]


def _resolve_body(pos_hbm, vel_hbm, rec_hbm,
                  pos_out, vel_out,
                  s_v, rec_v, civ_v, occ_v, isoi_v, isoj_v):
    cid = lax.axis_index("c")
    sid = lax.axis_index("s")

    @pl.when((cid == 0) & (sid == 0))
    def _():
        pltpu.sync_copy(pos_hbm, s_v.at[pl.ds(0, 2 * _N)])
        pltpu.sync_copy(vel_hbm, s_v.at[pl.ds(2 * _N, 2 * _N)])
        pltpu.sync_copy(rec_hbm, rec_v)

        lane = lax.iota(jnp.int32, _L)
        selpat = (((lane >= 4) & (lane < 8)) | (lane == 10)
                  | (lane == 11)).astype(jnp.int32)
        off3 = jnp.where(
            lane < 8, (lane & 1) + (2 * _N) * ((lane >> 1) & 1),
            jnp.where(lane < 12, (2 * _N) + (lane & 1), 0))
        mask8 = lane < 8
        hi8 = (lane >= 8) & (lane < 12)
        vel4 = ((lane & 2) != 0) & mask8
        zero = jnp.zeros((_L,), jnp.float32)
        izero = jnp.zeros((_L,), jnp.int32)
        ones = jnp.full((_L,), 1, jnp.int32)

        def occ_pass(cc, carry):
            base = cc * _L
            rows = base + lane
            vf = plsc.load_gather(rec_v, [rows * _L + 13])
            jf = plsc.load_gather(rec_v, [rows * _L + 12])
            v = vf.astype(jnp.int32)
            occ_v[pl.ds(base, _L)] = v
            plsc.addupdate_scatter(occ_v, [jf.astype(jnp.int32)], ones,
                                   mask=v > 0)
            return carry

        lax.fori_loop(0, _N // _L, occ_pass, 0)

        def classify(cc, carry):
            ni, nch = carry
            base = cc * _L
            rows = base + lane
            vf = plsc.load_gather(rec_v, [rows * _L + 13])
            jf = plsc.load_gather(rec_v, [rows * _L + 12])
            jv = jf.astype(jnp.int32)
            m = vf > 0.0
            occ_i = occ_v[pl.ds(base, _L)]
            occ_j = plsc.load_gather(occ_v, [jv])
            iso = m & (occ_i == 1) & (occ_j == 1)
            ch = m & ((occ_i != 1) | (occ_j != 1))
            isoi = iso.astype(jnp.int32)
            chi = ch.astype(jnp.int32)
            riso = (plsc.cumsum(isoi) - 1) + ni
            rch2 = ((plsc.cumsum(chi) - 1) + nch) * 2
            plsc.store_scatter(isoi_v, [riso], rows, mask=iso)
            plsc.store_scatter(isoj_v, [riso], jv, mask=iso)
            plsc.store_scatter(civ_v, [rch2], rows, mask=ch)
            plsc.store_scatter(civ_v, [rch2 + 1], jv, mask=ch)
            return ni + jnp.sum(isoi), nch + jnp.sum(chi)

        ni, nch = lax.fori_loop(0, _N // _L, classify, (0, 0))

        plsc.store_scatter(isoi_v, [ni + lane], izero)
        plsc.store_scatter(isoj_v, [ni + lane], izero)

        def iso_batch(b, carry):
            base = b * _L
            iv = isoi_v[pl.ds(base, _L)]
            jv = isoj_v[pl.ds(base, _L)]
            ri = iv * _L
            rj2 = 2 * jv
            ri2 = 2 * iv
            wnx = plsc.load_gather(rec_v, [ri + 8])
            wny = plsc.load_gather(rec_v, [ri + 9])
            nx = plsc.load_gather(rec_v, [ri + 10])
            ny = plsc.load_gather(rec_v, [ri + 11])
            anx = plsc.load_gather(rec_v, [ri + 2])
            any_ = plsc.load_gather(rec_v, [ri + 3])
            bnx = plsc.load_gather(rec_v, [ri + 6])
            bny = plsc.load_gather(rec_v, [ri + 7])
            dpix = plsc.load_gather(rec_v, [ri])
            dpiy = plsc.load_gather(rec_v, [ri + 1])
            dpjx = plsc.load_gather(rec_v, [ri + 4])
            dpjy = plsc.load_gather(rec_v, [ri + 5])
            vxi = plsc.load_gather(s_v, [2 * _N + ri2])
            vyi = plsc.load_gather(s_v, [2 * _N + ri2 + 1])
            vxj = plsc.load_gather(s_v, [2 * _N + rj2])
            vyj = plsc.load_gather(s_v, [2 * _N + rj2 + 1])
            vn = ((wnx * vxi + wny * vyi) + nx * vxj) + ny * vyj
            neg = vn < 0.0
            plsc.addupdate_scatter(s_v, [ri2], dpix)
            plsc.addupdate_scatter(s_v, [ri2 + 1], dpiy)
            plsc.addupdate_scatter(s_v, [rj2], dpjx)
            plsc.addupdate_scatter(s_v, [rj2 + 1], dpjy)
            plsc.addupdate_scatter(
                s_v, [2 * _N + ri2], jnp.where(neg, vn * anx, zero))
            plsc.addupdate_scatter(
                s_v, [2 * _N + ri2 + 1], jnp.where(neg, vn * any_, zero))
            plsc.addupdate_scatter(
                s_v, [2 * _N + rj2], jnp.where(neg, vn * bnx, zero))
            plsc.addupdate_scatter(
                s_v, [2 * _N + rj2 + 1], jnp.where(neg, vn * bny, zero))
            return carry

        lax.fori_loop(0, (ni + _L - 1) // _L, iso_batch, 0)

        def one(t):
            t2 = jnp.full((_L,), 2 * t, jnp.int32)
            ivec = plsc.load_gather(civ_v, [t2])
            sel = plsc.load_gather(civ_v, [t2 + selpat])
            rec = plsc.load_gather(rec_v, [ivec * _L + lane])
            idx = 2 * sel + off3
            state = plsc.load_gather(s_v, [idx])
            tt = rec * state
            vn = jnp.sum(jnp.where(hi8, tt, zero))
            vnb = jnp.full((_L,), vn)
            delta = jnp.where(vel4, jnp.where(vnb < 0.0, vnb * rec, zero),
                              rec)
            plsc.addupdate_scatter(s_v, [idx], delta, mask=mask8)

        def body(t, carry):
            one(t)
            return carry

        lax.fori_loop(0, nch, body, 0)

        pltpu.sync_copy(s_v.at[pl.ds(0, 2 * _N)], pos_out)
        pltpu.sync_copy(s_v.at[pl.ds(2 * _N, 2 * _N)], vel_out)


def _resolve(*args):
    fn = functools.partial(
        pl.kernel,
        out_type=[jax.ShapeDtypeStruct((2 * _N,), jnp.float32),
                  jax.ShapeDtypeStruct((2 * _N,), jnp.float32)],
        mesh=plsc.VectorSubcoreMesh(core_axis_name="c", subcore_axis_name="s"),
        scratch_types=[
            pltpu.VMEM((4 * _N,), jnp.float32),
            pltpu.VMEM((_N * _L,), jnp.float32),
            pltpu.VMEM((2 * _N,), jnp.int32),
            pltpu.VMEM((_N,), jnp.int32),
            pltpu.VMEM((_N + _L,), jnp.int32),
            pltpu.VMEM((_N + _L,), jnp.int32),
        ],
        compiler_params=pltpu.CompilerParams(needs_layout_passes=False),
    )(_resolve_body)
    return fn(*args)


def kernel(positions, velocities, radii, masses):
    posT = positions.T
    rec = _detect(posT, positions, radii, masses)
    pos_o, vel_o = _resolve(
        positions.reshape(2 * _N), velocities.reshape(2 * _N),
        rec.reshape(_N * _L))
    return jnp.concatenate(
        [pos_o.reshape(_N, 2), vel_o.reshape(_N, 2)], axis=-1)

# --- scband reference (transcript-rebuilt; emitter-appended) ---
"""Pipeline reference for scband-naive-collider-19490561589293 (READ-ONLY COPY).

The authoritative reference and input builder live on the scoring server;
editing this copy changes nothing except your own understanding.
"""

import jax, jax.numpy as jnp
import numpy as np

N = 1024


def setup_inputs(seed: int = 0):
    key = jax.random.key(seed)
    k1, k2, k3, k4 = jax.random.split(key, 4)
    positions = jax.random.normal(k1, (N, 2), dtype=jnp.float32) * 10.0
    velocities = jax.random.normal(k2, (N, 2), dtype=jnp.float32)
    radii = jax.random.uniform(k3, (N,), dtype=jnp.float32) * 0.5 + 0.1
    masses = jax.random.uniform(k4, (N,), dtype=jnp.float32) + 0.5
    return {"positions": positions, "velocities": velocities, "radii": radii, "masses": masses}


def _circle_vs_circle(pi, ri, pj, rj):
    # contact func for (Circle, Circle); returns (penetration_vector, contact_point)
    d = pj - pi
    dist = jnp.sqrt(jnp.sum(d * d, axis=-1) + 1e-12)
    pen = ri + rj - dist
    n = d / dist[..., None]
    hit = pen > 0.0
    pen_vec = jnp.where(hit[..., None], n * pen[..., None], 0.0)
    cp = jnp.where(hit[..., None], pi + n * (ri - 0.5 * pen)[..., None], jnp.nan)
    return pen_vec, cp


def _forward(positions, velocities, radii, masses):
    n_bodies = positions.shape[0]
    # all unordered pairs i > j (matches the i <= j: continue loop)
    ii_np, jj_np = np.tril_indices(n_bodies, -1)
    ii = jnp.asarray(ii_np)
    jj = jnp.asarray(jj_np)
    # narrow-phase detection for every pair (vmapped contact func)
    pen_vecs, cps = _circle_vs_circle(positions[ii], radii[ii], positions[jj], radii[jj])
    # scatter contacts into the [N, N] ContactInfo arrays (zeros / nan init as in original)
    pen_mat = jnp.zeros((n_bodies, n_bodies, 2), jnp.float32).at[ii, jj].set(pen_vecs)
    cp_mat = jnp.full((n_bodies, n_bodies, 2), jnp.nan, jnp.float32).at[ii, jj].set(cps)

    # choose_random_contact per body row (fixed PRNGKey(0), as in original)
    def choose(cp_row):
        is_bad = jnp.any(jnp.isnan(cp_row), axis=-1)
        cnt = jnp.sum(~is_bad)
        uniform = jnp.full((cp_row.shape[0],), 1.0 / cp_row.shape[0], jnp.float32)
        probs = jnp.where(cnt > 0, (~is_bad).astype(jnp.float32) / jnp.maximum(cnt, 1).astype(jnp.float32), uniform)
        idx = jax.random.choice(jax.random.PRNGKey(0), cp_row.shape[0], p=probs)
        valid = (cnt > 0) & (~is_bad[idx])
        return idx, valid

    js, valids = jax.vmap(choose)(cp_mat)
    rows = jnp.arange(n_bodies)
    sel_pen = pen_mat[rows, js]

    inv_m = 1.0 / masses
    e = 0.5  # restitution

    # scan over chosen contacts, resolve_collision + scatter-update body SoA
    def step(carry, contact):
        pos, vel = carry
        i, j, pen_vec, valid = contact
        pi_, pj_ = pos[i], pos[j]
        vi_, vj_ = vel[i], vel[j]
        imi, imj = inv_m[i], inv_m[j]
        nrm = pen_vec / (jnp.linalg.norm(pen_vec) + 1e-12)
        vn = jnp.dot(vj_ - vi_, nrm)
        do_imp = valid & (vn < 0.0)
        jimp = -(1.0 + e) * vn / (imi + imj)
        imp = jimp * nrm
        vi_new = jnp.where(do_imp, vi_ - imp * imi, vi_)
        vj_new = jnp.where(do_imp, vj_ + imp * imj, vj_)
        corr = 0.8 * pen_vec / (imi + imj)
        pi_new = jnp.where(valid, pi_ - corr * imi, pi_)
        pj_new = jnp.where(valid, pj_ + corr * imj, pj_)
        pos = pos.at[i].set(pi_new).at[j].set(pj_new)
        vel = vel.at[i].set(vi_new).at[j].set(vj_new)
        return (pos, vel), None

    (pos_out, vel_out), _ = jax.lax.scan(step, (positions, velocities), (rows, js, sel_pen, valids))
    return jnp.concatenate([pos_out, vel_out], axis=-1)


def reference(positions, velocities, radii, masses):
    return _forward(positions, velocities, radii, masses)

if __name__ == "__main__":
    import jax
    _d = setup_inputs()
    print(jax.jit(kernel)(*tuple(_d.values())))

</pallas_src>

<mosaic_0001>
#map = affine_map<(d0, d1) -> (0)>
module attributes {stable_mosaic.version = 14 : i64} {
  func.func @_resolve_body(%arg0: i32, %arg1: i32, %arg2: memref<2048xf32, #tpu.memory_space<hbm>>, %arg3: memref<2048xf32, #tpu.memory_space<hbm>>, %arg4: memref<16384xf32, #tpu.memory_space<hbm>>, %arg5: memref<2048xf32, #tpu.memory_space<hbm>>, %arg6: memref<2048xf32, #tpu.memory_space<hbm>>, %arg7: memref<4096xf32, #tpu.memory_space<vmem>>, %arg8: memref<16384xf32, #tpu.memory_space<vmem>>, %arg9: memref<2048xi32, #tpu.memory_space<vmem>>, %arg10: memref<1024xi32, #tpu.memory_space<vmem>>, %arg11: memref<1040xi32, #tpu.memory_space<vmem>>, %arg12: memref<1040xi32, #tpu.memory_space<vmem>>) attributes {dimension_semantics = [#tpu.dimension_semantics<core_parallel>, #tpu.dimension_semantics<subcore_parallel>], iteration_bounds = array<i64: 2, 16>, scalar_prefetch = 0 : i64, scratch_operands = 6 : i64, tpu.core_type = #tpu.core_type<sc_vector_subcore>, window_params = [{transform_indices = #map}, {transform_indices = #map}, {transform_indices = #map}, {transform_indices = #map}, {transform_indices = #map}]} {
    %eq3A = arith.constant 0 : i32
    %eq3A_0 = arith.cmpi eq, %arg0, %eq3A : i32
    %eq3A_1 = arith.constant 0 : i32
    %eq3A_2 = arith.cmpi eq, %arg1, %eq3A_1 : i32
    %and3A = arith.andi %eq3A_0, %eq3A_2 : i1
    %convert_element_type3A = arith.extui %and3A : i1 to i32
    %cond3A = arith.constant 0 : i32
    %cond3A_3 = arith.cmpi ne, %convert_element_type3A, %cond3A : i32
    scf.if %cond3A_3 {
      "tpu.region"() ({
        %run_scoped3A = tpu.sem_alloc : memref<!tpu.dma_semaphore, #tpu.memory_space<semaphore_mem>>
        %dma_start3A = arith.constant 0 : i32
        %dma_start3A_122 = tpu.memref_slice %arg7[%dma_start3A] : memref<4096xf32, #tpu.memory_space<vmem>> -> memref<2048xf32, #tpu.memory_space<vmem>>
        %dma_start3A_123 = arith.constant 0 : i32
        %dma_start3A_124 = tpu.memref_slice %arg7[%dma_start3A_123] : memref<4096xf32, #tpu.memory_space<vmem>> -> memref<2048xf32, #tpu.memory_space<vmem>>
        tpu.enqueue_dma source(%arg2 : memref<2048xf32, #tpu.memory_space<hbm>>) target(%dma_start3A_124 : memref<2048xf32, #tpu.memory_space<vmem>>) target_semaphore(%run_scoped3A : memref<!tpu.dma_semaphore, #tpu.memory_space<semaphore_mem>>)
        %dma_wait3A = arith.constant 0 : i32
        %dma_wait3A_125 = tpu.memref_slice %arg7[%dma_wait3A] : memref<4096xf32, #tpu.memory_space<vmem>> -> memref<2048xf32, #tpu.memory_space<vmem>>
        %dma_wait3A_126 = arith.constant 0 : i32
        %dma_wait3A_127 = tpu.memref_slice %arg7[%dma_wait3A_126] : memref<4096xf32, #tpu.memory_space<vmem>> -> memref<2048xf32, #tpu.memory_space<vmem>>
        tpu.wait_dma2 semaphore(%run_scoped3A : memref<!tpu.dma_semaphore, #tpu.memory_space<semaphore_mem>>) src(%arg2 : memref<2048xf32, #tpu.memory_space<hbm>>) dst(%dma_wait3A_127 : memref<2048xf32, #tpu.memory_space<vmem>>)
        tpu.yield
      }) : () -> ()
      "tpu.region"() ({
        %run_scoped3A = tpu.sem_alloc : memref<!tpu.dma_semaphore, #tpu.memory_space<semaphore_mem>>
        %dma_start3A = arith.constant 2048 : i32
        %dma_start3A_122 = tpu.memref_slice %arg7[%dma_start3A] : memref<4096xf32, #tpu.memory_space<vmem>> -> memref<2048xf32, #tpu.memory_space<vmem>>
        %dma_start3A_123 = arith.constant 2048 : i32
        %dma_start3A_124 = tpu.memref_slice %arg7[%dma_start3A_123] : memref<4096xf32, #tpu.memory_space<vmem>> -> memref<2048xf32, #tpu.memory_space<vmem>>
        tpu.enqueue_dma source(%arg3 : memref<2048xf32, #tpu.memory_space<hbm>>) target(%dma_start3A_124 : memref<2048xf32, #tpu.memory_space<vmem>>) target_semaphore(%run_scoped3A : memref<!tpu.dma_semaphore, #tpu.memory_space<semaphore_mem>>)
        %dma_wait3A = arith.constant 2048 : i32
        %dma_wait3A_125 = tpu.memref_slice %arg7[%dma_wait3A] : memref<4096xf32, #tpu.memory_space<vmem>> -> memref<2048xf32, #tpu.memory_space<vmem>>
        %dma_wait3A_126 = arith.constant 2048 : i32
        %dma_wait3A_127 = tpu.memref_slice %arg7[%dma_wait3A_126] : memref<4096xf32, #tpu.memory_space<vmem>> -> memref<2048xf32, #tpu.memory_space<vmem>>
        tpu.wait_dma2 semaphore(%run_scoped3A : memref<!tpu.dma_semaphore, #tpu.memory_space<semaphore_mem>>) src(%arg3 : memref<2048xf32, #tpu.memory_space<hbm>>) dst(%dma_wait3A_127 : memref<2048xf32, #tpu.memory_space<vmem>>)
        tpu.yield
      }) : () -> ()
      "tpu.region"() ({
        %run_scoped3A = tpu.sem_alloc : memref<!tpu.dma_semaphore, #tpu.memory_space<semaphore_mem>>
        tpu.enqueue_dma source(%arg4 : memref<16384xf32, #tpu.memory_space<hbm>>) target(%arg8 : memref<16384xf32, #tpu.memory_space<vmem>>) target_semaphore(%run_scoped3A : memref<!tpu.dma_semaphore, #tpu.memory_space<semaphore_mem>>)
        tpu.wait_dma2 semaphore(%run_scoped3A : memref<!tpu.dma_semaphore, #tpu.memory_space<semaphore_mem>>) src(%arg4 : memref<16384xf32, #tpu.memory_space<hbm>>) dst(%arg8 : memref<16384xf32, #tpu.memory_space<vmem>>)
        tpu.yield
      }) : () -> ()
      %iota3A = tpu.iota {dimensions = array<i32: 0>} : vector<16xi32>
      %ge3A = arith.constant 4 : i32
      %ge3A_4 = vector.broadcast %ge3A : i32 to vector<16xi32>
      %ge3A_5 = arith.cmpi sge, %iota3A, %ge3A_4 : vector<16xi32>
      %lt3A = arith.constant 8 : i32
      %lt3A_6 = vector.broadcast %lt3A : i32 to vector<16xi32>
      %lt3A_7 = arith.cmpi slt, %iota3A, %lt3A_6 : vector<16xi32>
      %and3A_8 = arith.andi %ge3A_5, %lt3A_7 : vector<16xi1>
      %eq3A_9 = arith.constant 10 : i32
      %eq3A_10 = vector.broadcast %eq3A_9 : i32 to vector<16xi32>
      %eq3A_11 = arith.cmpi eq, %iota3A, %eq3A_10 : vector<16xi32>
      %or3A = arith.ori %and3A_8, %eq3A_11 : vector<16xi1>
      %eq3A_12 = arith.constant 11 : i32
      %eq3A_13 = vector.broadcast %eq3A_12 : i32 to vector<16xi32>
      %eq3A_14 = arith.cmpi eq, %iota3A, %eq3A_13 : vector<16xi32>
      %or3A_15 = arith.ori %or3A, %eq3A_14 : vector<16xi1>
      %convert_element_type3A_16 = arith.extui %or3A_15 : vector<16xi1> to vector<16xi32>
      %lt3A_17 = arith.constant 8 : i32
      %lt3A_18 = vector.broadcast %lt3A_17 : i32 to vector<16xi32>
      %lt3A_19 = arith.cmpi slt, %iota3A, %lt3A_18 : vector<16xi32>
      %and3A_20 = arith.constant 1 : i32
      %and3A_21 = vector.broadcast %and3A_20 : i32 to vector<16xi32>
      %and3A_22 = arith.andi %iota3A, %and3A_21 : vector<16xi32>
      %shift_right_arithmetic3A = arith.constant 1 : i32
      %shift_right_arithmetic3A_23 = vector.broadcast %shift_right_arithmetic3A : i32 to vector<16xi32>
      %shift_right_arithmetic3A_24 = arith.shrsi %iota3A, %shift_right_arithmetic3A_23 : vector<16xi32>
      %and3A_25 = arith.constant 1 : i32
      %and3A_26 = vector.broadcast %and3A_25 : i32 to vector<16xi32>
      %and3A_27 = arith.andi %shift_right_arithmetic3A_24, %and3A_26 : vector<16xi32>
      %mul3A = arith.constant 2048 : i32
      %mul3A_28 = vector.broadcast %mul3A : i32 to vector<16xi32>
      %mul3A_29 = arith.muli %mul3A_28, %and3A_27 : vector<16xi32>
      %add3A = arith.addi %and3A_22, %mul3A_29 : vector<16xi32>
      %lt3A_30 = arith.constant 12 : i32
      %lt3A_31 = vector.broadcast %lt3A_30 : i32 to vector<16xi32>
      %lt3A_32 = arith.cmpi slt, %iota3A, %lt3A_31 : vector<16xi32>
      %and3A_33 = arith.constant 1 : i32
      %and3A_34 = vector.broadcast %and3A_33 : i32 to vector<16xi32>
      %and3A_35 = arith.andi %iota3A, %and3A_34 : vector<16xi32>
      %add3A_36 = arith.constant 2048 : i32
      %add3A_37 = vector.broadcast %add3A_36 : i32 to vector<16xi32>
      %add3A_38 = arith.addi %add3A_37, %and3A_35 : vector<16xi32>
      %jit3A = arith.constant 0 : i32
      %broadcast_in_dim3A = vector.broadcast %jit3A : i32 to vector<16xi32>
      %select_n3A = arith.select %lt3A_32, %add3A_38, %broadcast_in_dim3A : vector<16xi1>, vector<16xi32>
      %select_n3A_39 = arith.select %lt3A_19, %add3A, %select_n3A : vector<16xi1>, vector<16xi32>
      %lt3A_40 = arith.constant 8 : i32
      %lt3A_41 = vector.broadcast %lt3A_40 : i32 to vector<16xi32>
      %lt3A_42 = arith.cmpi slt, %iota3A, %lt3A_41 : vector<16xi32>
      %ge3A_43 = arith.constant 8 : i32
      %ge3A_44 = vector.broadcast %ge3A_43 : i32 to vector<16xi32>
      %ge3A_45 = arith.cmpi sge, %iota3A, %ge3A_44 : vector<16xi32>
      %lt3A_46 = arith.constant 12 : i32
      %lt3A_47 = vector.broadcast %lt3A_46 : i32 to vector<16xi32>
      %lt3A_48 = arith.cmpi slt, %iota3A, %lt3A_47 : vector<16xi32>
      %and3A_49 = arith.andi %ge3A_45, %lt3A_48 : vector<16xi1>
      %and3A_50 = arith.constant 2 : i32
      %and3A_51 = vector.broadcast %and3A_50 : i32 to vector<16xi32>
      %and3A_52 = arith.andi %iota3A, %and3A_51 : vector<16xi32>
      %ne3A = arith.constant 0 : i32
      %ne3A_53 = vector.broadcast %ne3A : i32 to vector<16xi32>
      %ne3A_54 = arith.cmpi ne, %and3A_52, %ne3A_53 : vector<16xi32>
      %and3A_55 = arith.andi %ne3A_54, %lt3A_42 : vector<16xi1>
      %broadcast_in_dim3A_56 = arith.constant 0.000000e+00 : f32
      %broadcast_in_dim3A_57 = vector.broadcast %broadcast_in_dim3A_56 : f32 to vector<16xf32>
      %broadcast_in_dim3A_58 = arith.constant 0 : i32
      %broadcast_in_dim3A_59 = vector.broadcast %broadcast_in_dim3A_58 : i32 to vector<16xi32>
      %broadcast_in_dim3A_60 = arith.constant 1 : i32
      %broadcast_in_dim3A_61 = vector.broadcast %broadcast_in_dim3A_60 : i32 to vector<16xi32>
      %scan3A = arith.constant 0 : i32
      %scan3A_62 = arith.constant 0 : i32
      %scan3A_63 = arith.constant 64 : i32
      %scan3A_64 = arith.addi %scan3A_62, %scan3A_63 : i32
      %scan3A_65 = arith.constant 1 : i32
      scf.for %scan3A_122 = %scan3A_62 to %scan3A_64 step %scan3A_65  : i32 {
        %mul3A_123 = arith.constant 16 : i32
        %mul3A_124 = arith.muli %scan3A_122, %mul3A_123 : i32
        %add3A_125 = vector.broadcast %mul3A_124 : i32 to vector<16xi32>
        %add3A_126 = arith.addi %add3A_125, %iota3A : vector<16xi32>
        %mul3A_127 = arith.constant 16 : i32
        %mul3A_128 = vector.broadcast %mul3A_127 : i32 to vector<16xi32>
        %mul3A_129 = arith.muli %add3A_126, %mul3A_128 : vector<16xi32>
        %add3A_130 = arith.constant 13 : i32
        %add3A_131 = vector.broadcast %add3A_130 : i32 to vector<16xi32>
        %add3A_132 = arith.addi %mul3A_129, %add3A_131 : vector<16xi32>
        %gather3A = tpu.vector_load_idx %arg8[%add3A_132] : memref<16384xf32, #tpu.memory_space<vmem>>[vector<16xi32>], vector<16xf32>,
        %mul3A_133 = arith.constant 16 : i32
        %mul3A_134 = vector.broadcast %mul3A_133 : i32 to vector<16xi32>
        %mul3A_135 = arith.muli %add3A_126, %mul3A_134 : vector<16xi32>
        %add3A_136 = arith.constant 12 : i32
        %add3A_137 = vector.broadcast %add3A_136 : i32 to vector<16xi32>
        %add3A_138 = arith.addi %mul3A_135, %add3A_137 : vector<16xi32>
        %gather3A_139 = tpu.vector_load_idx %arg8[%add3A_138] : memref<16384xf32, #tpu.memory_space<vmem>>[vector<16xi32>], vector<16xf32>,
        %convert_element_type3A_140 = arith.fptosi %gather3A : vector<16xf32> to vector<16xi32>
        %swap3A = arith.index_cast %mul3A_124 : i32 to index
        %swap3A_141 = tpu.vector_load %arg10[%swap3A] {strides = array<i32>} : memref<1024xi32, #tpu.memory_space<vmem>>, vector<16xi32>,
        tpu.vector_store %arg10[%swap3A], %convert_element_type3A_140 {strides = array<i32>} : memref<1024xi32, #tpu.memory_space<vmem>>, vector<16xi32>,
        %convert_element_type3A_142 = arith.fptosi %gather3A_139 : vector<16xf32> to vector<16xi32>
        %gt3A = arith.constant 0 : i32
        %gt3A_143 = vector.broadcast %gt3A : i32 to vector<16xi32>
        %gt3A_144 = arith.cmpi sgt, %convert_element_type3A_140, %gt3A_143 : vector<16xi32>
        tpu.vector_store_idx %arg10[%convert_element_type3A_142], %broadcast_in_dim3A_61 masked %gt3A_144 {add = true} : memref<1024xi32, #tpu.memory_space<vmem>>[vector<16xi32>], vector<16xi32>, vector<16xi1>
      }
      %scan3A_66 = arith.constant 64 : i32
      %scan3A_67 = arith.constant 0 : i32
      %scan3A_68 = arith.constant 0 : i32
      %scan3A_69 = arith.constant 0 : i32
      %scan3A_70 = arith.constant 64 : i32
      %scan3A_71 = arith.addi %scan3A_69, %scan3A_70 : i32
      %scan3A_72 = arith.constant 1 : i32
      %scan3A_73:2 = scf.for %scan3A_122 = %scan3A_69 to %scan3A_71 step %scan3A_72 iter_args(%scan3A_123 = %scan3A_67, %scan3A_124 = %scan3A_68) -> (i32, i32)  : i32 {
        %mul3A_125 = arith.constant 16 : i32
        %mul3A_126 = arith.muli %scan3A_122, %mul3A_125 : i32
        %add3A_127 = vector.broadcast %mul3A_126 : i32 to vector<16xi32>
        %add3A_128 = arith.addi %add3A_127, %iota3A : vector<16xi32>
        %mul3A_129 = arith.constant 16 : i32
        %mul3A_130 = vector.broadcast %mul3A_129 : i32 to vector<16xi32>
        %mul3A_131 = arith.muli %add3A_128, %mul3A_130 : vector<16xi32>
        %add3A_132 = arith.constant 13 : i32
        %add3A_133 = vector.broadcast %add3A_132 : i32 to vector<16xi32>
        %add3A_134 = arith.addi %mul3A_131, %add3A_133 : vector<16xi32>
        %gather3A = tpu.vector_load_idx %arg8[%add3A_134] : memref<16384xf32, #tpu.memory_space<vmem>>[vector<16xi32>], vector<16xf32>,
        %mul3A_135 = arith.constant 16 : i32
        %mul3A_136 = vector.broadcast %mul3A_135 : i32 to vector<16xi32>
        %mul3A_137 = arith.muli %add3A_128, %mul3A_136 : vector<16xi32>
        %add3A_138 = arith.constant 12 : i32
        %add3A_139 = vector.broadcast %add3A_138 : i32 to vector<16xi32>
        %add3A_140 = arith.addi %mul3A_137, %add3A_139 : vector<16xi32>
        %gather3A_141 = tpu.vector_load_idx %arg8[%add3A_140] : memref<16384xf32, #tpu.memory_space<vmem>>[vector<16xi32>], vector<16xf32>,
        %convert_element_type3A_142 = arith.fptosi %gather3A_141 : vector<16xf32> to vector<16xi32>
        %gt3A = arith.constant 0.000000e+00 : f32
        %gt3A_143 = vector.broadcast %gt3A : f32 to vector<16xf32>
        %gt3A_144 = arith.cmpf ogt, %gather3A, %gt3A_143 : vector<16xf32>
        %get3A = arith.index_cast %mul3A_126 : i32 to index
        %get3A_145 = tpu.vector_load %arg10[%get3A] {strides = array<i32>} : memref<1024xi32, #tpu.memory_space<vmem>>, vector<16xi32>,
        %gather3A_146 = tpu.vector_load_idx %arg10[%convert_element_type3A_142] : memref<1024xi32, #tpu.memory_space<vmem>>[vector<16xi32>], vector<16xi32>,
        %eq3A_147 = arith.constant 1 : i32
        %eq3A_148 = vector.broadcast %eq3A_147 : i32 to vector<16xi32>
        %eq3A_149 = arith.cmpi eq, %get3A_145, %eq3A_148 : vector<16xi32>
        %and3A_150 = arith.andi %gt3A_144, %eq3A_149 : vector<16xi1>
        %eq3A_151 = arith.constant 1 : i32
        %eq3A_152 = vector.broadcast %eq3A_151 : i32 to vector<16xi32>
        %eq3A_153 = arith.cmpi eq, %gather3A_146, %eq3A_152 : vector<16xi32>
        %and3A_154 = arith.andi %and3A_150, %eq3A_153 : vector<16xi1>
        %ne3A_155 = arith.constant 1 : i32
        %ne3A_156 = vector.broadcast %ne3A_155 : i32 to vector<16xi32>
        %ne3A_157 = arith.cmpi ne, %get3A_145, %ne3A_156 : vector<16xi32>
        %ne3A_158 = arith.constant 1 : i32
        %ne3A_159 = vector.broadcast %ne3A_158 : i32 to vector<16xi32>
        %ne3A_160 = arith.cmpi ne, %gather3A_146, %ne3A_159 : vector<16xi32>
        %or3A_161 = arith.ori %ne3A_157, %ne3A_160 : vector<16xi1>
        %and3A_162 = arith.andi %gt3A_144, %or3A_161 : vector<16xi1>
        %convert_element_type3A_163 = arith.extui %and3A_154 : vector<16xi1> to vector<16xi32>
        %convert_element_type3A_164 = arith.extui %and3A_162 : vector<16xi1> to vector<16xi32>
        %broadcast_in_dim3A_165 = arith.constant true
        %broadcast_in_dim3A_166 = vector.broadcast %broadcast_in_dim3A_165 : i1 to vector<16xi1>
        %masked_cumsum3A = tpu.scan <sum>, %convert_element_type3A_163 masked %broadcast_in_dim3A_166 : vector<16xi32>, vector<16xi1> -> vector<16xi32>
        %sub3A_167 = arith.constant 1 : i32
        %sub3A_168 = vector.broadcast %sub3A_167 : i32 to vector<16xi32>
        %sub3A_169 = arith.subi %masked_cumsum3A, %sub3A_168 : vector<16xi32>
        %add3A_170 = vector.broadcast %scan3A_123 : i32 to vector<16xi32>
        %add3A_171 = arith.addi %sub3A_169, %add3A_170 : vector<16xi32>
        %broadcast_in_dim3A_172 = arith.constant true
        %broadcast_in_dim3A_173 = vector.broadcast %broadcast_in_dim3A_172 : i1 to vector<16xi1>
        %masked_cumsum3A_174 = tpu.scan <sum>, %convert_element_type3A_164 masked %broadcast_in_dim3A_173 : vector<16xi32>, vector<16xi1> -> vector<16xi32>
        %sub3A_175 = arith.constant 1 : i32
        %sub3A_176 = vector.broadcast %sub3A_175 : i32 to vector<16xi32>
        %sub3A_177 = arith.subi %masked_cumsum3A_174, %sub3A_176 : vector<16xi32>
        %add3A_178 = vector.broadcast %scan3A_124 : i32 to vector<16xi32>
        %add3A_179 = arith.addi %sub3A_177, %add3A_178 : vector<16xi32>
        %mul3A_180 = arith.constant 2 : i32
        %mul3A_181 = vector.broadcast %mul3A_180 : i32 to vector<16xi32>
        %mul3A_182 = arith.muli %add3A_179, %mul3A_181 : vector<16xi32>
        tpu.vector_store_idx %arg11[%add3A_171], %add3A_128 masked %and3A_154 : memref<1040xi32, #tpu.memory_space<vmem>>[vector<16xi32>], vector<16xi32>, vector<16xi1>
        tpu.vector_store_idx %arg12[%add3A_171], %convert_element_type3A_142 masked %and3A_154 : memref<1040xi32, #tpu.memory_space<vmem>>[vector<16xi32>], vector<16xi32>, vector<16xi1>
        tpu.vector_store_idx %arg9[%mul3A_182], %add3A_128 masked %and3A_162 : memref<2048xi32, #tpu.memory_space<vmem>>[vector<16xi32>], vector<16xi32>, vector<16xi1>
        %add3A_183 = arith.constant 1 : i32
        %add3A_184 = vector.broadcast %add3A_183 : i32 to vector<16xi32>
        %add3A_185 = arith.addi %mul3A_182, %add3A_184 : vector<16xi32>
        tpu.vector_store_idx %arg9[%add3A_185], %convert_element_type3A_142 masked %and3A_162 : memref<2048xi32, #tpu.memory_space<vmem>>[vector<16xi32>], vector<16xi32>, vector<16xi1>
        %reduce_sum3A = arith.constant true
        %reduce_sum3A_186 = vector.broadcast %reduce_sum3A : i1 to vector<16xi1>
        %reduce_sum3A_187 = tpu.scan <sum>, %convert_element_type3A_163 masked %reduce_sum3A_186 : vector<16xi32>, vector<16xi1> -> vector<16xi32>
        %reduce_sum3A_188 = vector.extract %reduce_sum3A_187[15] : i32 from vector<16xi32>
        %add3A_189 = arith.addi %scan3A_123, %reduce_sum3A_188 : i32
        %reduce_sum3A_190 = arith.constant true
        %reduce_sum3A_191 = vector.broadcast %reduce_sum3A_190 : i1 to vector<16xi1>
        %reduce_sum3A_192 = tpu.scan <sum>, %convert_element_type3A_164 masked %reduce_sum3A_191 : vector<16xi32>, vector<16xi1> -> vector<16xi32>
        %reduce_sum3A_193 = vector.extract %reduce_sum3A_192[15] : i32 from vector<16xi32>
        %add3A_194 = arith.addi %scan3A_124, %reduce_sum3A_193 : i32
        scf.yield %add3A_189, %add3A_194 : i32, i32
      }
      %scan3A_74 = arith.constant 64 : i32
      %add3A_75 = vector.broadcast %scan3A_73#0 : i32 to vector<16xi32>
      %add3A_76 = arith.addi %add3A_75, %iota3A : vector<16xi32>
      tpu.vector_store_idx %arg11[%add3A_76], %broadcast_in_dim3A_59 : memref<1040xi32, #tpu.memory_space<vmem>>[vector<16xi32>], vector<16xi32>,
      %add3A_77 = vector.broadcast %scan3A_73#0 : i32 to vector<16xi32>
      %add3A_78 = arith.addi %add3A_77, %iota3A : vector<16xi32>
      tpu.vector_store_idx %arg12[%add3A_78], %broadcast_in_dim3A_59 : memref<1040xi32, #tpu.memory_space<vmem>>[vector<16xi32>], vector<16xi32>,
      %add3A_79 = arith.constant 16 : i32
      %add3A_80 = arith.addi %scan3A_73#0, %add3A_79 : i32
      %sub3A = arith.constant 1 : i32
      %sub3A_81 = arith.subi %add3A_80, %sub3A : i32
      %jit3A_82 = arith.constant 16 : i32
      %div3A = arith.divsi %sub3A_81, %jit3A_82 : i32
      %sign3A = arith.constant 0 : i32
      %sign3A_83 = arith.cmpi sgt, %sub3A_81, %sign3A : i32
      %sign3A_84 = arith.extui %sign3A_83 : i1 to i32
      %sign3A_85 = arith.constant 0 : i32
      %sign3A_86 = arith.cmpi slt, %sub3A_81, %sign3A_85 : i32
      %sign3A_87 = arith.extui %sign3A_86 : i1 to i32
      %sign3A_88 = arith.subi %sign3A_84, %sign3A_87 : i32
      %sign3A_89 = arith.constant 0 : i32
      %sign3A_90 = arith.cmpi sgt, %jit3A_82, %sign3A_89 : i32
      %sign3A_91 = arith.extui %sign3A_90 : i1 to i32
      %sign3A_92 = arith.constant 0 : i32
      %sign3A_93 = arith.cmpi slt, %jit3A_82, %sign3A_92 : i32
      %sign3A_94 = arith.extui %sign3A_93 : i1 to i32
      %sign3A_95 = arith.subi %sign3A_91, %sign3A_94 : i32
      %ne3A_96 = arith.cmpi ne, %sign3A_88, %sign3A_95 : i32
      %rem3A = arith.remsi %sub3A_81, %jit3A_82 : i32
      %ne3A_97 = arith.constant 0 : i32
      %ne3A_98 = arith.cmpi ne, %rem3A, %ne3A_97 : i32
      %and3A_99 = arith.andi %ne3A_96, %ne3A_98 : i1
      %sub3A_100 = arith.constant 1 : i32
      %sub3A_101 = arith.subi %div3A, %sub3A_100 : i32
      %select_n3A_102 = arith.select %and3A_99, %sub3A_101, %div3A : i32
      %while3A = arith.constant 0 : i32
      %while3A_103 = arith.constant 0 : i32
      %while3A_104 = arith.subi %select_n3A_102, %while3A_103 : i32
      %while3A_105 = arith.addi %while3A_103, %while3A_104 : i32
      %while3A_106 = arith.constant 1 : i32
      %while3A_107 = arith.divsi %while3A_104, %while3A_106 : i32
      %while3A_108 = arith.muli %while3A_107, %while3A_106 : i32
      %while3A_109 = arith.addi %while3A_103, %while3A_108 : i32
      %while3A_110 = arith.constant 1 : i32
      scf.for %while3A_122 = %while3A_103 to %while3A_109 step %while3A_110  : i32 {
        %mul3A_123 = arith.constant 16 : i32
        %mul3A_124 = arith.muli %while3A_122, %mul3A_123 : i32
        %get3A = arith.index_cast %mul3A_124 : i32 to index
        %get3A_125 = tpu.vector_load %arg11[%get3A] {strides = array<i32>} : memref<1040xi32, #tpu.memory_space<vmem>>, vector<16xi32>,
        %get3A_126 = arith.index_cast %mul3A_124 : i32 to index
        %get3A_127 = tpu.vector_load %arg12[%get3A_126] {strides = array<i32>} : memref<1040xi32, #tpu.memory_space<vmem>>, vector<16xi32>,
        %mul3A_128 = arith.constant 16 : i32
        %mul3A_129 = vector.broadcast %mul3A_128 : i32 to vector<16xi32>
        %mul3A_130 = arith.muli %get3A_125, %mul3A_129 : vector<16xi32>
        %mul3A_131 = arith.constant 2 : i32
        %mul3A_132 = vector.broadcast %mul3A_131 : i32 to vector<16xi32>
        %mul3A_133 = arith.muli %mul3A_132, %get3A_127 : vector<16xi32>
        %mul3A_134 = arith.constant 2 : i32
        %mul3A_135 = vector.broadcast %mul3A_134 : i32 to vector<16xi32>
        %mul3A_136 = arith.muli %mul3A_135, %get3A_125 : vector<16xi32>
        %add3A_137 = arith.constant 8 : i32
        %add3A_138 = vector.broadcast %add3A_137 : i32 to vector<16xi32>
        %add3A_139 = arith.addi %mul3A_130, %add3A_138 : vector<16xi32>
        %gather3A = tpu.vector_load_idx %arg8[%add3A_139] : memref<16384xf32, #tpu.memory_space<vmem>>[vector<16xi32>], vector<16xf32>,
        %add3A_140 = arith.constant 9 : i32
        %add3A_141 = vector.broadcast %add3A_140 : i32 to vector<16xi32>
        %add3A_142 = arith.addi %mul3A_130, %add3A_141 : vector<16xi32>
        %gather3A_143 = tpu.vector_load_idx %arg8[%add3A_142] : memref<16384xf32, #tpu.memory_space<vmem>>[vector<16xi32>], vector<16xf32>,
        %add3A_144 = arith.constant 10 : i32
        %add3A_145 = vector.broadcast %add3A_144 : i32 to vector<16xi32>
        %add3A_146 = arith.addi %mul3A_130, %add3A_145 : vector<16xi32>
        %gather3A_147 = tpu.vector_load_idx %arg8[%add3A_146] : memref<16384xf32, #tpu.memory_space<vmem>>[vector<16xi32>], vector<16xf32>,
        %add3A_148 = arith.constant 11 : i32
        %add3A_149 = vector.broadcast %add3A_148 : i32 to vector<16xi32>
        %add3A_150 = arith.addi %mul3A_130, %add3A_149 : vector<16xi32>
        %gather3A_151 = tpu.vector_load_idx %arg8[%add3A_150] : memref<16384xf32, #tpu.memory_space<vmem>>[vector<16xi32>], vector<16xf32>,
        %add3A_152 = arith.constant 2 : i32
        %add3A_153 = vector.broadcast %add3A_152 : i32 to vector<16xi32>
        %add3A_154 = arith.addi %mul3A_130, %add3A_153 : vector<16xi32>
        %gather3A_155 = tpu.vector_load_idx %arg8[%add3A_154] : memref<16384xf32, #tpu.memory_space<vmem>>[vector<16xi32>], vector<16xf32>,
        %add3A_156 = arith.constant 3 : i32
        %add3A_157 = vector.broadcast %add3A_156 : i32 to vector<16xi32>
        %add3A_158 = arith.addi %mul3A_130, %add3A_157 : vector<16xi32>
        %gather3A_159 = tpu.vector_load_idx %arg8[%add3A_158] : memref<16384xf32, #tpu.memory_space<vmem>>[vector<16xi32>], vector<16xf32>,
        %add3A_160 = arith.constant 6 : i32
        %add3A_161 = vector.broadcast %add3A_160 : i32 to vector<16xi32>
        %add3A_162 = arith.addi %mul3A_130, %add3A_161 : vector<16xi32>
        %gather3A_163 = tpu.vector_load_idx %arg8[%add3A_162] : memref<16384xf32, #tpu.memory_space<vmem>>[vector<16xi32>], vector<16xf32>,
        %add3A_164 = arith.constant 7 : i32
        %add3A_165 = vector.broadcast %add3A_164 : i32 to vector<16xi32>
        %add3A_166 = arith.addi %mul3A_130, %add3A_165 : vector<16xi32>
        %gather3A_167 = tpu.vector_load_idx %arg8[%add3A_166] : memref<16384xf32, #tpu.memory_space<vmem>>[vector<16xi32>], vector<16xf32>,
        %gather3A_168 = tpu.vector_load_idx %arg8[%mul3A_130] : memref<16384xf32, #tpu.memory_space<vmem>>[vector<16xi32>], vector<16xf32>,
        %add3A_169 = arith.constant 1 : i32
        %add3A_170 = vector.broadcast %add3A_169 : i32 to vector<16xi32>
        %add3A_171 = arith.addi %mul3A_130, %add3A_170 : vector<16xi32>
        %gather3A_172 = tpu.vector_load_idx %arg8[%add3A_171] : memref<16384xf32, #tpu.memory_space<vmem>>[vector<16xi32>], vector<16xf32>,
        %add3A_173 = arith.constant 4 : i32
        %add3A_174 = vector.broadcast %add3A_173 : i32 to vector<16xi32>
        %add3A_175 = arith.addi %mul3A_130, %add3A_174 : vector<16xi32>
        %gather3A_176 = tpu.vector_load_idx %arg8[%add3A_175] : memref<16384xf32, #tpu.memory_space<vmem>>[vector<16xi32>], vector<16xf32>,
        %add3A_177 = arith.constant 5 : i32
        %add3A_178 = vector.broadcast %add3A_177 : i32 to vector<16xi32>
        %add3A_179 = arith.addi %mul3A_130, %add3A_178 : vector<16xi32>
        %gather3A_180 = tpu.vector_load_idx %arg8[%add3A_179] : memref<16384xf32, #tpu.memory_space<vmem>>[vector<16xi32>], vector<16xf32>,
        %add3A_181 = arith.constant 2048 : i32
        %add3A_182 = vector.broadcast %add3A_181 : i32 to vector<16xi32>
        %add3A_183 = arith.addi %add3A_182, %mul3A_136 : vector<16xi32>
        %gather3A_184 = tpu.vector_load_idx %arg7[%add3A_183] : memref<4096xf32, #tpu.memory_space<vmem>>[vector<16xi32>], vector<16xf32>,
        %add3A_185 = arith.constant 2048 : i32
        %add3A_186 = vector.broadcast %add3A_185 : i32 to vector<16xi32>
        %add3A_187 = arith.addi %add3A_186, %mul3A_136 : vector<16xi32>
        %add3A_188 = arith.constant 1 : i32
        %add3A_189 = vector.broadcast %add3A_188 : i32 to vector<16xi32>
        %add3A_190 = arith.addi %add3A_187, %add3A_189 : vector<16xi32>
        %gather3A_191 = tpu.vector_load_idx %arg7[%add3A_190] : memref<4096xf32, #tpu.memory_space<vmem>>[vector<16xi32>], vector<16xf32>,
        %add3A_192 = arith.constant 2048 : i32
        %add3A_193 = vector.broadcast %add3A_192 : i32 to vector<16xi32>
        %add3A_194 = arith.addi %add3A_193, %mul3A_133 : vector<16xi32>
        %gather3A_195 = tpu.vector_load_idx %arg7[%add3A_194] : memref<4096xf32, #tpu.memory_space<vmem>>[vector<16xi32>], vector<16xf32>,
        %add3A_196 = arith.constant 2048 : i32
        %add3A_197 = vector.broadcast %add3A_196 : i32 to vector<16xi32>
        %add3A_198 = arith.addi %add3A_197, %mul3A_133 : vector<16xi32>
        %add3A_199 = arith.constant 1 : i32
        %add3A_200 = vector.broadcast %add3A_199 : i32 to vector<16xi32>
        %add3A_201 = arith.addi %add3A_198, %add3A_200 : vector<16xi32>
        %gather3A_202 = tpu.vector_load_idx %arg7[%add3A_201] : memref<4096xf32, #tpu.memory_space<vmem>>[vector<16xi32>], vector<16xf32>,
        %mul3A_203 = arith.mulf %gather3A, %gather3A_184 : vector<16xf32>
        %mul3A_204 = arith.mulf %gather3A_143, %gather3A_191 : vector<16xf32>
        %add3A_205 = arith.addf %mul3A_203, %mul3A_204 : vector<16xf32>
        %mul3A_206 = arith.mulf %gather3A_147, %gather3A_195 : vector<16xf32>
        %add3A_207 = arith.addf %add3A_205, %mul3A_206 : vector<16xf32>
        %mul3A_208 = arith.mulf %gather3A_151, %gather3A_202 : vector<16xf32>
        %add3A_209 = arith.addf %add3A_207, %mul3A_208 : vector<16xf32>
        %lt3A_210 = arith.constant 0.000000e+00 : f32
        %lt3A_211 = vector.broadcast %lt3A_210 : f32 to vector<16xf32>
        %lt3A_212 = arith.cmpf olt, %add3A_209, %lt3A_211 : vector<16xf32>
        tpu.vector_store_idx %arg7[%mul3A_136], %gather3A_168 {add = true} : memref<4096xf32, #tpu.memory_space<vmem>>[vector<16xi32>], vector<16xf32>,
        %add3A_213 = arith.constant 1 : i32
        %add3A_214 = vector.broadcast %add3A_213 : i32 to vector<16xi32>
        %add3A_215 = arith.addi %mul3A_136, %add3A_214 : vector<16xi32>
        tpu.vector_store_idx %arg7[%add3A_215], %gather3A_172 {add = true} : memref<4096xf32, #tpu.memory_space<vmem>>[vector<16xi32>], vector<16xf32>,
        tpu.vector_store_idx %arg7[%mul3A_133], %gather3A_176 {add = true} : memref<4096xf32, #tpu.memory_space<vmem>>[vector<16xi32>], vector<16xf32>,
        %add3A_216 = arith.constant 1 : i32
        %add3A_217 = vector.broadcast %add3A_216 : i32 to vector<16xi32>
        %add3A_218 = arith.addi %mul3A_133, %add3A_217 : vector<16xi32>
        tpu.vector_store_idx %arg7[%add3A_218], %gather3A_180 {add = true} : memref<4096xf32, #tpu.memory_space<vmem>>[vector<16xi32>], vector<16xf32>,
        %add3A_219 = arith.constant 2048 : i32
        %add3A_220 = vector.broadcast %add3A_219 : i32 to vector<16xi32>
        %add3A_221 = arith.addi %add3A_220, %mul3A_136 : vector<16xi32>
        %mul3A_222 = arith.mulf %add3A_209, %gather3A_155 : vector<16xf32>
        %select_n3A_223 = arith.select %lt3A_212, %mul3A_222, %broadcast_in_dim3A_57 : vector<16xi1>, vector<16xf32>
        tpu.vector_store_idx %arg7[%add3A_221], %select_n3A_223 {add = true} : memref<4096xf32, #tpu.memory_space<vmem>>[vector<16xi32>], vector<16xf32>,
        %add3A_224 = arith.constant 2048 : i32
        %add3A_225 = vector.broadcast %add3A_224 : i32 to vector<16xi32>
        %add3A_226 = arith.addi %add3A_225, %mul3A_136 : vector<16xi32>
        %add3A_227 = arith.constant 1 : i32
        %add3A_228 = vector.broadcast %add3A_227 : i32 to vector<16xi32>
        %add3A_229 = arith.addi %add3A_226, %add3A_228 : vector<16xi32>
        %mul3A_230 = arith.mulf %add3A_209, %gather3A_159 : vector<16xf32>
        %select_n3A_231 = arith.select %lt3A_212, %mul3A_230, %broadcast_in_dim3A_57 : vector<16xi1>, vector<16xf32>
        tpu.vector_store_idx %arg7[%add3A_229], %select_n3A_231 {add = true} : memref<4096xf32, #tpu.memory_space<vmem>>[vector<16xi32>], vector<16xf32>,
        %add3A_232 = arith.constant 2048 : i32
        %add3A_233 = vector.broadcast %add3A_232 : i32 to vector<16xi32>
        %add3A_234 = arith.addi %add3A_233, %mul3A_133 : vector<16xi32>
        %mul3A_235 = arith.mulf %add3A_209, %gather3A_163 : vector<16xf32>
        %select_n3A_236 = arith.select %lt3A_212, %mul3A_235, %broadcast_in_dim3A_57 : vector<16xi1>, vector<16xf32>
        tpu.vector_store_idx %arg7[%add3A_234], %select_n3A_236 {add = true} : memref<4096xf32, #tpu.memory_space<vmem>>[vector<16xi32>], vector<16xf32>,
        %add3A_237 = arith.constant 2048 : i32
        %add3A_238 = vector.broadcast %add3A_237 : i32 to vector<16xi32>
        %add3A_239 = arith.addi %add3A_238, %mul3A_133 : vector<16xi32>
        %add3A_240 = arith.constant 1 : i32
        %add3A_241 = vector.broadcast %add3A_240 : i32 to vector<16xi32>
        %add3A_242 = arith.addi %add3A_239, %add3A_241 : vector<16xi32>
        %mul3A_243 = arith.mulf %add3A_209, %gather3A_167 : vector<16xf32>
        %select_n3A_244 = arith.select %lt3A_212, %mul3A_243, %broadcast_in_dim3A_57 : vector<16xi1>, vector<16xf32>
        tpu.vector_store_idx %arg7[%add3A_242], %select_n3A_244 {add = true} : memref<4096xf32, #tpu.memory_space<vmem>>[vector<16xi32>], vector<16xf32>,
      }
      %while3A_111 = arith.constant 1 : i32
      scf.for %while3A_122 = %while3A_109 to %while3A_105 step %while3A_111  : i32 {
        %mul3A_123 = arith.constant 16 : i32
        %mul3A_124 = arith.muli %while3A_122, %mul3A_123 : i32
        %get3A = arith.index_cast %mul3A_124 : i32 to index
        %get3A_125 = tpu.vector_load %arg11[%get3A] {strides = array<i32>} : memref<1040xi32, #tpu.memory_space<vmem>>, vector<16xi32>,
        %get3A_126 = arith.index_cast %mul3A_124 : i32 to index
        %get3A_127 = tpu.vector_load %arg12[%get3A_126] {strides = array<i32>} : memref<1040xi32, #tpu.memory_space<vmem>>, vector<16xi32>,
        %mul3A_128 = arith.constant 16 : i32
        %mul3A_129 = vector.broadcast %mul3A_128 : i32 to vector<16xi32>
        %mul3A_130 = arith.muli %get3A_125, %mul3A_129 : vector<16xi32>
        %mul3A_131 = arith.constant 2 : i32
        %mul3A_132 = vector.broadcast %mul3A_131 : i32 to vector<16xi32>
        %mul3A_133 = arith.muli %mul3A_132, %get3A_127 : vector<16xi32>
        %mul3A_134 = arith.constant 2 : i32
        %mul3A_135 = vector.broadcast %mul3A_134 : i32 to vector<16xi32>
        %mul3A_136 = arith.muli %mul3A_135, %get3A_125 : vector<16xi32>
        %add3A_137 = arith.constant 8 : i32
        %add3A_138 = vector.broadcast %add3A_137 : i32 to vector<16xi32>
        %add3A_139 = arith.addi %mul3A_130, %add3A_138 : vector<16xi32>
        %gather3A = tpu.vector_load_idx %arg8[%add3A_139] : memref<16384xf32, #tpu.memory_space<vmem>>[vector<16xi32>], vector<16xf32>,
        %add3A_140 = arith.constant 9 : i32
        %add3A_141 = vector.broadcast %add3A_140 : i32 to vector<16xi32>
        %add3A_142 = arith.addi %mul3A_130, %add3A_141 : vector<16xi32>
        %gather3A_143 = tpu.vector_load_idx %arg8[%add3A_142] : memref<16384xf32, #tpu.memory_space<vmem>>[vector<16xi32>], vector<16xf32>,
        %add3A_144 = arith.constant 10 : i32
        %add3A_145 = vector.broadcast %add3A_144 : i32 to vector<16xi32>
        %add3A_146 = arith.addi %mul3A_130, %add3A_145 : vector<16xi32>
        %gather3A_147 = tpu.vector_load_idx %arg8[%add3A_146] : memref<16384xf32, #tpu.memory_space<vmem>>[vector<16xi32>], vector<16xf32>,
        %add3A_148 = arith.constant 11 : i32
        %add3A_149 = vector.broadcast %add3A_148 : i32 to vector<16xi32>
        %add3A_150 = arith.addi %mul3A_130, %add3A_149 : vector<16xi32>
        %gather3A_151 = tpu.vector_load_idx %arg8[%add3A_150] : memref<16384xf32, #tpu.memory_space<vmem>>[vector<16xi32>], vector<16xf32>,
        %add3A_152 = arith.constant 2 : i32
        %add3A_153 = vector.broadcast %add3A_152 : i32 to vector<16xi32>
        %add3A_154 = arith.addi %mul3A_130, %add3A_153 : vector<16xi32>
        %gather3A_155 = tpu.vector_load_idx %arg8[%add3A_154] : memref<16384xf32, #tpu.memory_space<vmem>>[vector<16xi32>], vector<16xf32>,
        %add3A_156 = arith.constant 3 : i32
        %add3A_157 = vector.broadcast %add3A_156 : i32 to vector<16xi32>
        %add3A_158 = arith.addi %mul3A_130, %add3A_157 : vector<16xi32>
        %gather3A_159 = tpu.vector_load_idx %arg8[%add3A_158] : memref<16384xf32, #tpu.memory_space<vmem>>[vector<16xi32>], vector<16xf32>,
        %add3A_160 = arith.constant 6 : i32
        %add3A_161 = vector.broadcast %add3A_160 : i32 to vector<16xi32>
        %add3A_162 = arith.addi %mul3A_130, %add3A_161 : vector<16xi32>
        %gather3A_163 = tpu.vector_load_idx %arg8[%add3A_162] : memref<16384xf32, #tpu.memory_space<vmem>>[vector<16xi32>], vector<16xf32>,
        %add3A_164 = arith.constant 7 : i32
        %add3A_165 = vector.broadcast %add3A_164 : i32 to vector<16xi32>
        %add3A_166 = arith.addi %mul3A_130, %add3A_165 : vector<16xi32>
        %gather3A_167 = tpu.vector_load_idx %arg8[%add3A_166] : memref<16384xf32, #tpu.memory_space<vmem>>[vector<16xi32>], vector<16xf32>,
        %gather3A_168 = tpu.vector_load_idx %arg8[%mul3A_130] : memref<16384xf32, #tpu.memory_space<vmem>>[vector<16xi32>], vector<16xf32>,
        %add3A_169 = arith.constant 1 : i32
        %add3A_170 = vector.broadcast %add3A_169 : i32 to vector<16xi32>
        %add3A_171 = arith.addi %mul3A_130, %add3A_170 : vector<16xi32>
        %gather3A_172 = tpu.vector_load_idx %arg8[%add3A_171] : memref<16384xf32, #tpu.memory_space<vmem>>[vector<16xi32>], vector<16xf32>,
        %add3A_173 = arith.constant 4 : i32
        %add3A_174 = vector.broadcast %add3A_173 : i32 to vector<16xi32>
        %add3A_175 = arith.addi %mul3A_130, %add3A_174 : vector<16xi32>
        %gather3A_176 = tpu.vector_load_idx %arg8[%add3A_175] : memref<16384xf32, #tpu.memory_space<vmem>>[vector<16xi32>], vector<16xf32>,
        %add3A_177 = arith.constant 5 : i32
        %add3A_178 = vector.broadcast %add3A_177 : i32 to vector<16xi32>
        %add3A_179 = arith.addi %mul3A_130, %add3A_178 : vector<16xi32>
        %gather3A_180 = tpu.vector_load_idx %arg8[%add3A_179] : memref<16384xf32, #tpu.memory_space<vmem>>[vector<16xi32>], vector<16xf32>,
        %add3A_181 = arith.constant 2048 : i32
        %add3A_182 = vector.broadcast %add3A_181 : i32 to vector<16xi32>
        %add3A_183 = arith.addi %add3A_182, %mul3A_136 : vector<16xi32>
        %gather3A_184 = tpu.vector_load_idx %arg7[%add3A_183] : memref<4096xf32, #tpu.memory_space<vmem>>[vector<16xi32>], vector<16xf32>,
        %add3A_185 = arith.constant 2048 : i32
        %add3A_186 = vector.broadcast %add3A_185 : i32 to vector<16xi32>
        %add3A_187 = arith.addi %add3A_186, %mul3A_136 : vector<16xi32>
        %add3A_188 = arith.constant 1 : i32
        %add3A_189 = vector.broadcast %add3A_188 : i32 to vector<16xi32>
        %add3A_190 = arith.addi %add3A_187, %add3A_189 : vector<16xi32>
        %gather3A_191 = tpu.vector_load_idx %arg7[%add3A_190] : memref<4096xf32, #tpu.memory_space<vmem>>[vector<16xi32>], vector<16xf32>,
        %add3A_192 = arith.constant 2048 : i32
        %add3A_193 = vector.broadcast %add3A_192 : i32 to vector<16xi32>
        %add3A_194 = arith.addi %add3A_193, %mul3A_133 : vector<16xi32>
        %gather3A_195 = tpu.vector_load_idx %arg7[%add3A_194] : memref<4096xf32, #tpu.memory_space<vmem>>[vector<16xi32>], vector<16xf32>,
        %add3A_196 = arith.constant 2048 : i32
        %add3A_197 = vector.broadcast %add3A_196 : i32 to vector<16xi32>
        %add3A_198 = arith.addi %add3A_197, %mul3A_133 : vector<16xi32>
        %add3A_199 = arith.constant 1 : i32
        %add3A_200 = vector.broadcast %add3A_199 : i32 to vector<16xi32>
        %add3A_201 = arith.addi %add3A_198, %add3A_200 : vector<16xi32>
        %gather3A_202 = tpu.vector_load_idx %arg7[%add3A_201] : memref<4096xf32, #tpu.memory_space<vmem>>[vector<16xi32>], vector<16xf32>,
        %mul3A_203 = arith.mulf %gather3A, %gather3A_184 : vector<16xf32>
        %mul3A_204 = arith.mulf %gather3A_143, %gather3A_191 : vector<16xf32>
        %add3A_205 = arith.addf %mul3A_203, %mul3A_204 : vector<16xf32>
        %mul3A_206 = arith.mulf %gather3A_147, %gather3A_195 : vector<16xf32>
        %add3A_207 = arith.addf %add3A_205, %mul3A_206 : vector<16xf32>
        %mul3A_208 = arith.mulf %gather3A_151, %gather3A_202 : vector<16xf32>
        %add3A_209 = arith.addf %add3A_207, %mul3A_208 : vector<16xf32>
        %lt3A_210 = arith.constant 0.000000e+00 : f32
        %lt3A_211 = vector.broadcast %lt3A_210 : f32 to vector<16xf32>
        %lt3A_212 = arith.cmpf olt, %add3A_209, %lt3A_211 : vector<16xf32>
        tpu.vector_store_idx %arg7[%mul3A_136], %gather3A_168 {add = true} : memref<4096xf32, #tpu.memory_space<vmem>>[vector<16xi32>], vector<16xf32>,
        %add3A_213 = arith.constant 1 : i32
        %add3A_214 = vector.broadcast %add3A_213 : i32 to vector<16xi32>
        %add3A_215 = arith.addi %mul3A_136, %add3A_214 : vector<16xi32>
        tpu.vector_store_idx %arg7[%add3A_215], %gather3A_172 {add = true} : memref<4096xf32, #tpu.memory_space<vmem>>[vector<16xi32>], vector<16xf32>,
        tpu.vector_store_idx %arg7[%mul3A_133], %gather3A_176 {add = true} : memref<4096xf32, #tpu.memory_space<vmem>>[vector<16xi32>], vector<16xf32>,
        %add3A_216 = arith.constant 1 : i32
        %add3A_217 = vector.broadcast %add3A_216 : i32 to vector<16xi32>
        %add3A_218 = arith.addi %mul3A_133, %add3A_217 : vector<16xi32>
        tpu.vector_store_idx %arg7[%add3A_218], %gather3A_180 {add = true} : memref<4096xf32, #tpu.memory_space<vmem>>[vector<16xi32>], vector<16xf32>,
        %add3A_219 = arith.constant 2048 : i32
        %add3A_220 = vector.broadcast %add3A_219 : i32 to vector<16xi32>
        %add3A_221 = arith.addi %add3A_220, %mul3A_136 : vector<16xi32>
        %mul3A_222 = arith.mulf %add3A_209, %gather3A_155 : vector<16xf32>
        %select_n3A_223 = arith.select %lt3A_212, %mul3A_222, %broadcast_in_dim3A_57 : vector<16xi1>, vector<16xf32>
        tpu.vector_store_idx %arg7[%add3A_221], %select_n3A_223 {add = true} : memref<4096xf32, #tpu.memory_space<vmem>>[vector<16xi32>], vector<16xf32>,
        %add3A_224 = arith.constant 2048 : i32
        %add3A_225 = vector.broadcast %add3A_224 : i32 to vector<16xi32>
        %add3A_226 = arith.addi %add3A_225, %mul3A_136 : vector<16xi32>
        %add3A_227 = arith.constant 1 : i32
        %add3A_228 = vector.broadcast %add3A_227 : i32 to vector<16xi32>
        %add3A_229 = arith.addi %add3A_226, %add3A_228 : vector<16xi32>
        %mul3A_230 = arith.mulf %add3A_209, %gather3A_159 : vector<16xf32>
        %select_n3A_231 = arith.select %lt3A_212, %mul3A_230, %broadcast_in_dim3A_57 : vector<16xi1>, vector<16xf32>
        tpu.vector_store_idx %arg7[%add3A_229], %select_n3A_231 {add = true} : memref<4096xf32, #tpu.memory_space<vmem>>[vector<16xi32>], vector<16xf32>,
        %add3A_232 = arith.constant 2048 : i32
        %add3A_233 = vector.broadcast %add3A_232 : i32 to vector<16xi32>
        %add3A_234 = arith.addi %add3A_233, %mul3A_133 : vector<16xi32>
        %mul3A_235 = arith.mulf %add3A_209, %gather3A_163 : vector<16xf32>
        %select_n3A_236 = arith.select %lt3A_212, %mul3A_235, %broadcast_in_dim3A_57 : vector<16xi1>, vector<16xf32>
        tpu.vector_store_idx %arg7[%add3A_234], %select_n3A_236 {add = true} : memref<4096xf32, #tpu.memory_space<vmem>>[vector<16xi32>], vector<16xf32>,
        %add3A_237 = arith.constant 2048 : i32
        %add3A_238 = vector.broadcast %add3A_237 : i32 to vector<16xi32>
        %add3A_239 = arith.addi %add3A_238, %mul3A_133 : vector<16xi32>
        %add3A_240 = arith.constant 1 : i32
        %add3A_241 = vector.broadcast %add3A_240 : i32 to vector<16xi32>
        %add3A_242 = arith.addi %add3A_239, %add3A_241 : vector<16xi32>
        %mul3A_243 = arith.mulf %add3A_209, %gather3A_167 : vector<16xf32>
        %select_n3A_244 = arith.select %lt3A_212, %mul3A_243, %broadcast_in_dim3A_57 : vector<16xi1>, vector<16xf32>
        tpu.vector_store_idx %arg7[%add3A_242], %select_n3A_244 {add = true} : memref<4096xf32, #tpu.memory_space<vmem>>[vector<16xi32>], vector<16xf32>,
      }
      %while3A_112 = arith.constant 0 : i32
      %while3A_113 = arith.constant 0 : i32
      %while3A_114 = arith.subi %scan3A_73#1, %while3A_113 : i32
      %while3A_115 = arith.addi %while3A_113, %while3A_114 : i32
      %while3A_116 = arith.constant 1 : i32
      %while3A_117 = arith.divsi %while3A_114, %while3A_116 : i32
      %while3A_118 = arith.muli %while3A_117, %while3A_116 : i32
      %while3A_119 = arith.addi %while3A_113, %while3A_118 : i32
      %while3A_120 = arith.constant 1 : i32
      scf.for %while3A_122 = %while3A_113 to %while3A_119 step %while3A_120  : i32 {
        %mul3A_123 = arith.constant 2 : i32
        %mul3A_124 = arith.muli %mul3A_123, %while3A_122 : i32
        %broadcast_in_dim3A_125 = vector.broadcast %mul3A_124 : i32 to vector<16xi32>
        %gather3A = tpu.vector_load_idx %arg9[%broadcast_in_dim3A_125] : memref<2048xi32, #tpu.memory_space<vmem>>[vector<16xi32>], vector<16xi32>,
        %add3A_126 = arith.addi %broadcast_in_dim3A_125, %convert_element_type3A_16 : vector<16xi32>
        %gather3A_127 = tpu.vector_load_idx %arg9[%add3A_126] : memref<2048xi32, #tpu.memory_space<vmem>>[vector<16xi32>], vector<16xi32>,
        %mul3A_128 = arith.constant 16 : i32
        %mul3A_129 = vector.broadcast %mul3A_128 : i32 to vector<16xi32>
        %mul3A_130 = arith.muli %gather3A, %mul3A_129 : vector<16xi32>
        %add3A_131 = arith.addi %mul3A_130, %iota3A : vector<16xi32>
        %gather3A_132 = tpu.vector_load_idx %arg8[%add3A_131] : memref<16384xf32, #tpu.memory_space<vmem>>[vector<16xi32>], vector<16xf32>,
        %mul3A_133 = arith.constant 2 : i32
        %mul3A_134 = vector.broadcast %mul3A_133 : i32 to vector<16xi32>
        %mul3A_135 = arith.muli %mul3A_134, %gather3A_127 : vector<16xi32>
        %add3A_136 = arith.addi %mul3A_135, %select_n3A_39 : vector<16xi32>
        %gather3A_137 = tpu.vector_load_idx %arg7[%add3A_136] : memref<4096xf32, #tpu.memory_space<vmem>>[vector<16xi32>], vector<16xf32>,
        %mul3A_138 = arith.mulf %gather3A_132, %gather3A_137 : vector<16xf32>
        %select_n3A_139 = arith.select %and3A_49, %mul3A_138, %broadcast_in_dim3A_57 : vector<16xi1>, vector<16xf32>
        %reduce_sum3A = arith.constant true
        %reduce_sum3A_140 = vector.broadcast %reduce_sum3A : i1 to vector<16xi1>
        %reduce_sum3A_141 = tpu.scan <sum>, %select_n3A_139 masked %reduce_sum3A_140 : vector<16xf32>, vector<16xi1> -> vector<16xf32>
        %reduce_sum3A_142 = vector.extract %reduce_sum3A_141[15] : f32 from vector<16xf32>
        %broadcast_in_dim3A_143 = vector.broadcast %reduce_sum3A_142 : f32 to vector<16xf32>
        %lt3A_144 = arith.constant 0.000000e+00 : f32
        %lt3A_145 = vector.broadcast %lt3A_144 : f32 to vector<16xf32>
        %lt3A_146 = arith.cmpf olt, %broadcast_in_dim3A_143, %lt3A_145 : vector<16xf32>
        %mul3A_147 = arith.mulf %broadcast_in_dim3A_143, %gather3A_132 : vector<16xf32>
        %select_n3A_148 = arith.select %lt3A_146, %mul3A_147, %broadcast_in_dim3A_57 : vector<16xi1>, vector<16xf32>
        %select_n3A_149 = arith.select %and3A_55, %select_n3A_148, %gather3A_132 : vector<16xi1>, vector<16xf32>
        tpu.vector_store_idx %arg7[%add3A_136], %select_n3A_149 masked %lt3A_42 {add = true} : memref<4096xf32, #tpu.memory_space<vmem>>[vector<16xi32>], vector<16xf32>, vector<16xi1>
      }
      %while3A_121 = arith.constant 1 : i32
      scf.for %while3A_122 = %while3A_119 to %while3A_115 step %while3A_121  : i32 {
        %mul3A_123 = arith.constant 2 : i32
        %mul3A_124 = arith.muli %mul3A_123, %while3A_122 : i32
        %broadcast_in_dim3A_125 = vector.broadcast %mul3A_124 : i32 to vector<16xi32>
        %gather3A = tpu.vector_load_idx %arg9[%broadcast_in_dim3A_125] : memref<2048xi32, #tpu.memory_space<vmem>>[vector<16xi32>], vector<16xi32>,
        %add3A_126 = arith.addi %broadcast_in_dim3A_125, %convert_element_type3A_16 : vector<16xi32>
        %gather3A_127 = tpu.vector_load_idx %arg9[%add3A_126] : memref<2048xi32, #tpu.memory_space<vmem>>[vector<16xi32>], vector<16xi32>,
        %mul3A_128 = arith.constant 16 : i32
        %mul3A_129 = vector.broadcast %mul3A_128 : i32 to vector<16xi32>
        %mul3A_130 = arith.muli %gather3A, %mul3A_129 : vector<16xi32>
        %add3A_131 = arith.addi %mul3A_130, %iota3A : vector<16xi32>
        %gather3A_132 = tpu.vector_load_idx %arg8[%add3A_131] : memref<16384xf32, #tpu.memory_space<vmem>>[vector<16xi32>], vector<16xf32>,
        %mul3A_133 = arith.constant 2 : i32
        %mul3A_134 = vector.broadcast %mul3A_133 : i32 to vector<16xi32>
        %mul3A_135 = arith.muli %mul3A_134, %gather3A_127 : vector<16xi32>
        %add3A_136 = arith.addi %mul3A_135, %select_n3A_39 : vector<16xi32>
        %gather3A_137 = tpu.vector_load_idx %arg7[%add3A_136] : memref<4096xf32, #tpu.memory_space<vmem>>[vector<16xi32>], vector<16xf32>,
        %mul3A_138 = arith.mulf %gather3A_132, %gather3A_137 : vector<16xf32>
        %select_n3A_139 = arith.select %and3A_49, %mul3A_138, %broadcast_in_dim3A_57 : vector<16xi1>, vector<16xf32>
        %reduce_sum3A = arith.constant true
        %reduce_sum3A_140 = vector.broadcast %reduce_sum3A : i1 to vector<16xi1>
        %reduce_sum3A_141 = tpu.scan <sum>, %select_n3A_139 masked %reduce_sum3A_140 : vector<16xf32>, vector<16xi1> -> vector<16xf32>
        %reduce_sum3A_142 = vector.extract %reduce_sum3A_141[15] : f32 from vector<16xf32>
        %broadcast_in_dim3A_143 = vector.broadcast %reduce_sum3A_142 : f32 to vector<16xf32>
        %lt3A_144 = arith.constant 0.000000e+00 : f32
        %lt3A_145 = vector.broadcast %lt3A_144 : f32 to vector<16xf32>
        %lt3A_146 = arith.cmpf olt, %broadcast_in_dim3A_143, %lt3A_145 : vector<16xf32>
        %mul3A_147 = arith.mulf %broadcast_in_dim3A_143, %gather3A_132 : vector<16xf32>
        %select_n3A_148 = arith.select %lt3A_146, %mul3A_147, %broadcast_in_dim3A_57 : vector<16xi1>, vector<16xf32>
        %select_n3A_149 = arith.select %and3A_55, %select_n3A_148, %gather3A_132 : vector<16xi1>, vector<16xf32>
        tpu.vector_store_idx %arg7[%add3A_136], %select_n3A_149 masked %lt3A_42 {add = true} : memref<4096xf32, #tpu.memory_space<vmem>>[vector<16xi32>], vector<16xf32>, vector<16xi1>
      }
      "tpu.region"() ({
        %run_scoped3A = tpu.sem_alloc : memref<!tpu.dma_semaphore, #tpu.memory_space<semaphore_mem>>
        %dma_start3A = arith.constant 0 : i32
        %dma_start3A_122 = tpu.memref_slice %arg7[%dma_start3A] : memref<4096xf32, #tpu.memory_space<vmem>> -> memref<2048xf32, #tpu.memory_space<vmem>>
        %dma_start3A_123 = arith.constant 0 : i32
        %dma_start3A_124 = tpu.memref_slice %arg7[%dma_start3A_123] : memref<4096xf32, #tpu.memory_space<vmem>> -> memref<2048xf32, #tpu.memory_space<vmem>>
        tpu.enqueue_dma source(%dma_start3A_124 : memref<2048xf32, #tpu.memory_space<vmem>>) target(%arg5 : memref<2048xf32, #tpu.memory_space<hbm>>) target_semaphore(%run_scoped3A : memref<!tpu.dma_semaphore, #tpu.memory_space<semaphore_mem>>)
        %dma_wait3A = arith.constant 0 : i32
        %dma_wait3A_125 = tpu.memref_slice %arg7[%dma_wait3A] : memref<4096xf32, #tpu.memory_space<vmem>> -> memref<2048xf32, #tpu.memory_space<vmem>>
        %dma_wait3A_126 = arith.constant 0 : i32
        %dma_wait3A_127 = tpu.memref_slice %arg7[%dma_wait3A_126] : memref<4096xf32, #tpu.memory_space<vmem>> -> memref<2048xf32, #tpu.memory_space<vmem>>
        tpu.wait_dma2 semaphore(%run_scoped3A : memref<!tpu.dma_semaphore, #tpu.memory_space<semaphore_mem>>) src(%dma_wait3A_127 : memref<2048xf32, #tpu.memory_space<vmem>>) dst(%arg5 : memref<2048xf32, #tpu.memory_space<hbm>>)
        tpu.yield
      }) : () -> ()
      "tpu.region"() ({
        %run_scoped3A = tpu.sem_alloc : memref<!tpu.dma_semaphore, #tpu.memory_space<semaphore_mem>>
        %dma_start3A = arith.constant 2048 : i32
        %dma_start3A_122 = tpu.memref_slice %arg7[%dma_start3A] : memref<4096xf32, #tpu.memory_space<vmem>> -> memref<2048xf32, #tpu.memory_space<vmem>>
        %dma_start3A_123 = arith.constant 2048 : i32
        %dma_start3A_124 = tpu.memref_slice %arg7[%dma_start3A_123] : memref<4096xf32, #tpu.memory_space<vmem>> -> memref<2048xf32, #tpu.memory_space<vmem>>
        tpu.enqueue_dma source(%dma_start3A_124 : memref<2048xf32, #tpu.memory_space<vmem>>) target(%arg6 : memref<2048xf32, #tpu.memory_space<hbm>>) target_semaphore(%run_scoped3A : memref<!tpu.dma_semaphore, #tpu.memory_space<semaphore_mem>>)
        %dma_wait3A = arith.constant 2048 : i32
        %dma_wait3A_125 = tpu.memref_slice %arg7[%dma_wait3A] : memref<4096xf32, #tpu.memory_space<vmem>> -> memref<2048xf32, #tpu.memory_space<vmem>>
        %dma_wait3A_126 = arith.constant 2048 : i32
        %dma_wait3A_127 = tpu.memref_slice %arg7[%dma_wait3A_126] : memref<4096xf32, #tpu.memory_space<vmem>> -> memref<2048xf32, #tpu.memory_space<vmem>>
        tpu.wait_dma2 semaphore(%run_scoped3A : memref<!tpu.dma_semaphore, #tpu.memory_space<semaphore_mem>>) src(%dma_wait3A_127 : memref<2048xf32, #tpu.memory_space<vmem>>) dst(%arg6 : memref<2048xf32, #tpu.memory_space<hbm>>)
        tpu.yield
      }) : () -> ()
    } else {
    }
    return
  }
}

module attributes {stable_mosaic.version = 14 : i64} {
  func.func @_detect_body(%arg0: i32, %arg1: memref<2x1024xf32, #tpu.memory_space<vmem>>, %arg2: memref<512x2xf32, #tpu.memory_space<vmem>>, %arg3: memref<1x1024xf32, #tpu.memory_space<vmem>>, %arg4: memref<1x1024xf32, #tpu.memory_space<vmem>>, %arg5: memref<512x2xf32, #tpu.memory_space<vmem>>, %arg6: memref<512x16xf32, #tpu.memory_space<vmem>>, %arg7: memref<1024x1024xbf16, #tpu.memory_space<vmem>>) attributes {dimension_semantics = [#tpu.dimension_semantics<arbitrary>], iteration_bounds = array<i64: 2>, scalar_prefetch = 0 : i64, scratch_operands = 1 : i64, tpu.core_type = #tpu.core_type<tc>, window_params = [{pipeline_mode = #tpu.pipeline_mode<synchronous>, transform_indices = @transform_0, window_bounds = array<i64: 2, 1024>}, {transform_indices = @transform_1, window_bounds = array<i64: 512, 2>}, {pipeline_mode = #tpu.pipeline_mode<synchronous>, transform_indices = @transform_2, window_bounds = array<i64: 1, 1024>}, {pipeline_mode = #tpu.pipeline_mode<synchronous>, transform_indices = @transform_3, window_bounds = array<i64: 1, 1024>}, {transform_indices = @transform_4, window_bounds = array<i64: 512, 2>}, {transform_indices = @transform_5, window_bounds = array<i64: 512, 16>}]} {
    %mul3A = arith.constant 512 : i32
    %mul3A_0 = arith.muli %arg0, %mul3A : i32
    %iota3A = tpu.iota {dimensions = array<i32: 1>} : vector<512x1024xi32>
    %iota3A_1 = tpu.iota {dimensions = array<i32: 0>} : vector<512x1024xi32>
    %add3A = vector.broadcast %mul3A_0 : i32 to vector<512x1024xi32>
    %add3A_2 = arith.addi %add3A, %iota3A_1 : vector<512x1024xi32>
    %eq3A = arith.constant 0 : i32
    %eq3A_3 = arith.cmpi eq, %arg0, %eq3A : i32
    %convert_element_type3A = arith.extui %eq3A_3 : i1 to i32
    %cond3A = arith.constant 0 : i32
    %cond3A_4 = arith.cmpi ne, %convert_element_type3A, %cond3A : i32
    scf.if %cond3A_4 {
      %iota3A_188 = tpu.iota {dimensions = array<i32: 0>} : vector<1024x1024xi32>
      %iota3A_189 = tpu.iota {dimensions = array<i32: 1>} : vector<1024x1024xi32>
      %le3A = arith.cmpi sle, %iota3A_188, %iota3A_189 : vector<1024x1024xi32>
      %convert_element_type3A_190 = arith.extui %le3A : vector<1024x1024xi1> to vector<1024x1024xi32>
      %convert_element_type3A_191 = arith.sitofp %convert_element_type3A_190 : vector<1024x1024xi32> to vector<1024x1024xf32>
      %convert_element_type3A_192 = arith.truncf %convert_element_type3A_191 : vector<1024x1024xf32> to vector<1024x1024xbf16>
      %swap3A_193 = arith.constant 0 : index
      %swap3A_194 = arith.constant 0 : index
      %swap3A_195 = vector.load %arg7[%swap3A_193, %swap3A_194] : memref<1024x1024xbf16, #tpu.memory_space<vmem>>, vector<1024x1024xbf16>
      tpu.vector_store %arg7[%swap3A_193, %swap3A_194], %convert_element_type3A_192 {strides = array<i32>} : memref<1024x1024xbf16, #tpu.memory_space<vmem>>, vector<1024x1024xbf16>,
    } else {
    }
    %get3A = arith.constant 0 : index
    %get3A_5 = arith.constant 0 : index
    %get3A_6 = vector.load %arg1[%get3A, %get3A_5] : memref<2x1024xf32, #tpu.memory_space<vmem>>, vector<1x1024xf32>
    %get3A_7 = arith.constant 1 : index
    %get3A_8 = arith.constant 0 : index
    %get3A_9 = vector.load %arg1[%get3A_7, %get3A_8] : memref<2x1024xf32, #tpu.memory_space<vmem>>, vector<1x1024xf32>
    %get3A_10 = arith.constant 0 : index
    %get3A_11 = arith.constant 0 : index
    %get3A_12 = vector.load %arg2[%get3A_10, %get3A_11] : memref<512x2xf32, #tpu.memory_space<vmem>>, vector<512x1xf32>
    %get3A_13 = arith.constant 0 : index
    %get3A_14 = arith.constant 1 : index
    %get3A_15 = vector.load %arg2[%get3A_13, %get3A_14] : memref<512x2xf32, #tpu.memory_space<vmem>>, vector<512x1xf32>
    %sub3A = vector.broadcast %get3A_6 : vector<1x1024xf32> to vector<512x1024xf32>
    %sub3A_16 = vector.broadcast %get3A_12 : vector<512x1xf32> to vector<512x1024xf32>
    %sub3A_17 = arith.subf %sub3A, %sub3A_16 : vector<512x1024xf32>
    %sub3A_18 = vector.broadcast %get3A_9 : vector<1x1024xf32> to vector<512x1024xf32>
    %sub3A_19 = vector.broadcast %get3A_15 : vector<512x1xf32> to vector<512x1024xf32>
    %sub3A_20 = arith.subf %sub3A_18, %sub3A_19 : vector<512x1024xf32>
    %mul3A_21 = arith.mulf %sub3A_17, %sub3A_17 : vector<512x1024xf32>
    %mul3A_22 = arith.mulf %sub3A_20, %sub3A_20 : vector<512x1024xf32>
    %add3A_23 = arith.addf %mul3A_21, %mul3A_22 : vector<512x1024xf32>
    %add3A_24 = arith.constant 9.99999996E-13 : f32
    %add3A_25 = vector.broadcast %add3A_24 : f32 to vector<512x1024xf32>
    %add3A_26 = arith.addf %add3A_23, %add3A_25 : vector<512x1024xf32>
    %sqrt3A = math.sqrt %add3A_26 : vector<512x1024xf32>
    %get3A_27 = arith.constant 0 : index
    %get3A_28 = arith.constant 0 : index
    %get3A_29 = vector.load %arg5[%get3A_27, %get3A_28] : memref<512x2xf32, #tpu.memory_space<vmem>>, vector<512x1xf32>
    %get3A_30 = arith.constant 0 : index
    %get3A_31 = arith.constant 1 : index
    %get3A_32 = vector.load %arg5[%get3A_30, %get3A_31] : memref<512x2xf32, #tpu.memory_space<vmem>>, vector<512x1xf32>
    %get3A_33 = arith.constant 0 : index
    %get3A_34 = arith.constant 0 : index
    %get3A_35 = vector.load %arg3[%get3A_33, %get3A_34] : memref<1x1024xf32, #tpu.memory_space<vmem>>, vector<1x1024xf32>
    %add3A_36 = vector.broadcast %get3A_29 : vector<512x1xf32> to vector<512x1024xf32>
    %add3A_37 = vector.broadcast %get3A_35 : vector<1x1024xf32> to vector<512x1024xf32>
    %add3A_38 = arith.addf %add3A_36, %add3A_37 : vector<512x1024xf32>
    %sub3A_39 = arith.subf %add3A_38, %sqrt3A : vector<512x1024xf32>
    %gt3A = arith.constant 0.000000e+00 : f32
    %gt3A_40 = vector.broadcast %gt3A : f32 to vector<512x1024xf32>
    %gt3A_41 = arith.cmpf ogt, %sub3A_39, %gt3A_40 : vector<512x1024xf32>
    %lt3A = arith.cmpi slt, %iota3A, %add3A_2 : vector<512x1024xi32>
    %and3A = arith.andi %gt3A_41, %lt3A : vector<512x1024xi1>
    %convert_element_type3A_42 = arith.extui %and3A : vector<512x1024xi1> to vector<512x1024xi32>
    %convert_element_type3A_43 = arith.sitofp %convert_element_type3A_42 : vector<512x1024xi32> to vector<512x1024xf32>
    %convert_element_type3A_44 = arith.truncf %convert_element_type3A_43 : vector<512x1024xf32> to vector<512x1024xbf16>
    %get3A_45 = arith.constant 0 : index
    %get3A_46 = arith.constant 0 : index
    %get3A_47 = vector.load %arg7[%get3A_45, %get3A_46] : memref<1024x1024xbf16, #tpu.memory_space<vmem>>, vector<1024x1024xbf16>
    %dot_general3A = arith.constant dense<0.000000e+00> : vector<512x1024xf32>
    %dot_general3A_48 = tpu.matmul %convert_element_type3A_44, %get3A_47, %dot_general3A {dimension_numbers = #tpu.dot_dimension_numbers<[1], [0], [0], [1], [0, 0, 1, 1], [], []>, transpose_lhs_hint = false} : vector<512x1024xbf16>, vector<1024x1024xbf16>, vector<512x1024xf32> -> vector<512x1024xf32>
    %slice3A = vector.extract_strided_slice %dot_general3A_48 {offsets = [0, 1023], sizes = [512, 1], strides = [1, 1]} : vector<512x1024xf32> to vector<512x1xf32>
    %max3A = arith.constant 1.000000e+00 : f32
    %max3A_49 = vector.broadcast %max3A : f32 to vector<512x1xf32>
    %max3A_50 = arith.maximumf %slice3A, %max3A_49 : vector<512x1xf32>
    %div3A = arith.constant 1.000000e+00 : f32
    %div3A_51 = vector.broadcast %div3A : f32 to vector<512x1xf32>
    %div3A_52 = arith.divf %div3A_51, %max3A_50 : vector<512x1xf32>
    %mul3A_53 = arith.mulf %max3A_50, %div3A_52 : vector<512x1xf32>
    %mul3A_54 = arith.constant 0.0523329973 : f32
    %mul3A_55 = vector.broadcast %mul3A_54 : f32 to vector<512x1xf32>
    %mul3A_56 = arith.mulf %mul3A_53, %mul3A_55 : vector<512x1xf32>
    %div3A_57 = arith.divf %mul3A_56, %div3A_52 : vector<512x1xf32>
    %floor3A = math.floor %div3A_57 : vector<512x1xf32>
    %add3A_58 = arith.constant 2.000000e+00 : f32
    %add3A_59 = vector.broadcast %add3A_58 : f32 to vector<512x1xf32>
    %add3A_60 = arith.addf %floor3A, %add3A_59 : vector<512x1xf32>
    %add3A_61 = arith.constant 1.000000e+00 : f32
    %add3A_62 = vector.broadcast %add3A_61 : f32 to vector<512x1xf32>
    %add3A_63 = arith.addf %floor3A, %add3A_62 : vector<512x1xf32>
    %sub3A_64 = arith.constant 1.000000e+00 : f32
    %sub3A_65 = vector.broadcast %sub3A_64 : f32 to vector<512x1xf32>
    %sub3A_66 = arith.subf %floor3A, %sub3A_65 : vector<512x1xf32>
    %max3A_67 = arith.constant 1.000000e+00 : f32
    %max3A_68 = vector.broadcast %max3A_67 : f32 to vector<512x1xf32>
    %max3A_69 = arith.maximumf %sub3A_66, %max3A_68 : vector<512x1xf32>
    %mul3A_70 = arith.mulf %add3A_63, %div3A_52 : vector<512x1xf32>
    %ge3A = arith.cmpf oge, %mul3A_70, %mul3A_56 : vector<512x1xf32>
    %select_n3A = arith.select %ge3A, %add3A_63, %add3A_60 : vector<512x1xi1>, vector<512x1xf32>
    %mul3A_71 = arith.mulf %floor3A, %div3A_52 : vector<512x1xf32>
    %ge3A_72 = arith.cmpf oge, %mul3A_71, %mul3A_56 : vector<512x1xf32>
    %select_n3A_73 = arith.select %ge3A_72, %floor3A, %select_n3A : vector<512x1xi1>, vector<512x1xf32>
    %mul3A_74 = arith.mulf %max3A_69, %div3A_52 : vector<512x1xf32>
    %ge3A_75 = arith.cmpf oge, %mul3A_74, %mul3A_56 : vector<512x1xf32>
    %select_n3A_76 = arith.select %ge3A_75, %max3A_69, %select_n3A_73 : vector<512x1xi1>, vector<512x1xf32>
    %max3A_77 = arith.constant 1.000000e+00 : f32
    %max3A_78 = vector.broadcast %max3A_77 : f32 to vector<512x1xf32>
    %max3A_79 = arith.maximumf %select_n3A_76, %max3A_78 : vector<512x1xf32>
    %min3A = arith.minimumf %max3A_79, %max3A_50 : vector<512x1xf32>
    %eq3A_80 = vector.broadcast %min3A : vector<512x1xf32> to vector<512x1024xf32>
    %eq3A_81 = arith.cmpf oeq, %dot_general3A_48, %eq3A_80 : vector<512x1024xf32>
    %and3A_82 = arith.andi %eq3A_81, %and3A : vector<512x1024xi1>
    %convert_element_type3A_83 = arith.extui %and3A_82 : vector<512x1024xi1> to vector<512x1024xi32>
    %convert_element_type3A_84 = arith.sitofp %convert_element_type3A_83 : vector<512x1024xi32> to vector<512x1024xf32>
    %convert_element_type3A_85 = arith.extui %and3A_82 : vector<512x1024xi1> to vector<512x1024xi32>
    %mul3A_86 = arith.muli %convert_element_type3A_85, %iota3A : vector<512x1024xi32>
    %reduce_sum3A = arith.constant dense<0> : vector<512xi32>
    %reduce_sum3A_87 = vector.multi_reduction <add>, %mul3A_86, %reduce_sum3A [1] : vector<512x1024xi32> to vector<512xi32>
    %broadcast_in_dim3A = vector.shape_cast %reduce_sum3A_87 : vector<512xi32> to vector<512x1xi32>
    %mul3A_88 = arith.mulf %convert_element_type3A_84, %sub3A_17 : vector<512x1024xf32>
    %reduce_sum3A_89 = arith.constant dense<0.000000e+00> : vector<512xf32>
    %reduce_sum3A_90 = vector.multi_reduction <add>, %mul3A_88, %reduce_sum3A_89 [1] : vector<512x1024xf32> to vector<512xf32>
    %broadcast_in_dim3A_91 = vector.shape_cast %reduce_sum3A_90 : vector<512xf32> to vector<512x1xf32>
    %mul3A_92 = arith.mulf %convert_element_type3A_84, %sub3A_20 : vector<512x1024xf32>
    %reduce_sum3A_93 = arith.constant dense<0.000000e+00> : vector<512xf32>
    %reduce_sum3A_94 = vector.multi_reduction <add>, %mul3A_92, %reduce_sum3A_93 [1] : vector<512x1024xf32> to vector<512xf32>
    %broadcast_in_dim3A_95 = vector.shape_cast %reduce_sum3A_94 : vector<512xf32> to vector<512x1xf32>
    %mul3A_96 = arith.mulf %convert_element_type3A_84, %sqrt3A : vector<512x1024xf32>
    %reduce_sum3A_97 = arith.constant dense<0.000000e+00> : vector<512xf32>
    %reduce_sum3A_98 = vector.multi_reduction <add>, %mul3A_96, %reduce_sum3A_97 [1] : vector<512x1024xf32> to vector<512xf32>
    %broadcast_in_dim3A_99 = vector.shape_cast %reduce_sum3A_98 : vector<512xf32> to vector<512x1xf32>
    %mul3A_100 = arith.mulf %convert_element_type3A_84, %sub3A_39 : vector<512x1024xf32>
    %reduce_sum3A_101 = arith.constant dense<0.000000e+00> : vector<512xf32>
    %reduce_sum3A_102 = vector.multi_reduction <add>, %mul3A_100, %reduce_sum3A_101 [1] : vector<512x1024xf32> to vector<512xf32>
    %broadcast_in_dim3A_103 = vector.shape_cast %reduce_sum3A_102 : vector<512xf32> to vector<512x1xf32>
    %get3A_104 = arith.constant 0 : index
    %get3A_105 = arith.constant 0 : index
    %get3A_106 = vector.load %arg4[%get3A_104, %get3A_105] : memref<1x1024xf32, #tpu.memory_space<vmem>>, vector<1x1024xf32>
    %div3A_107 = arith.constant 1.000000e+00 : f32
    %div3A_108 = vector.broadcast %div3A_107 : f32 to vector<1x1024xf32>
    %div3A_109 = arith.divf %div3A_108, %get3A_106 : vector<1x1024xf32>
    %mul3A_110 = vector.broadcast %div3A_109 : vector<1x1024xf32> to vector<512x1024xf32>
    %mul3A_111 = arith.mulf %convert_element_type3A_84, %mul3A_110 : vector<512x1024xf32>
    %reduce_sum3A_112 = arith.constant dense<0.000000e+00> : vector<512xf32>
    %reduce_sum3A_113 = vector.multi_reduction <add>, %mul3A_111, %reduce_sum3A_112 [1] : vector<512x1024xf32> to vector<512xf32>
    %broadcast_in_dim3A_114 = vector.shape_cast %reduce_sum3A_113 : vector<512xf32> to vector<512x1xf32>
    %div3A_115 = arith.constant 1.000000e+00 : f32
    %div3A_116 = vector.broadcast %div3A_115 : f32 to vector<512x1xf32>
    %div3A_117 = arith.divf %div3A_116, %get3A_32 : vector<512x1xf32>
    %gt3A_118 = arith.constant 0.000000e+00 : f32
    %gt3A_119 = vector.broadcast %gt3A_118 : f32 to vector<512x1xf32>
    %gt3A_120 = arith.cmpf ogt, %broadcast_in_dim3A_99, %gt3A_119 : vector<512x1xf32>
    %jit3A = arith.constant 1.000000e+00 : f32
    %broadcast_in_dim3A_121 = vector.broadcast %jit3A : f32 to vector<512x1xf32>
    %select_n3A_122 = arith.select %gt3A_120, %broadcast_in_dim3A_99, %broadcast_in_dim3A_121 : vector<512x1xi1>, vector<512x1xf32>
    %div3A_123 = arith.divf %broadcast_in_dim3A_91, %select_n3A_122 : vector<512x1xf32>
    %mul3A_124 = arith.mulf %div3A_123, %broadcast_in_dim3A_103 : vector<512x1xf32>
    %div3A_125 = arith.divf %broadcast_in_dim3A_95, %select_n3A_122 : vector<512x1xf32>
    %mul3A_126 = arith.mulf %div3A_125, %broadcast_in_dim3A_103 : vector<512x1xf32>
    %mul3A_127 = arith.mulf %mul3A_124, %mul3A_124 : vector<512x1xf32>
    %mul3A_128 = arith.mulf %mul3A_126, %mul3A_126 : vector<512x1xf32>
    %add3A_129 = arith.addf %mul3A_127, %mul3A_128 : vector<512x1xf32>
    %sqrt3A_130 = math.sqrt %add3A_129 : vector<512x1xf32>
    %add3A_131 = arith.constant 9.99999996E-13 : f32
    %add3A_132 = vector.broadcast %add3A_131 : f32 to vector<512x1xf32>
    %add3A_133 = arith.addf %sqrt3A_130, %add3A_132 : vector<512x1xf32>
    %div3A_134 = arith.divf %mul3A_124, %add3A_133 : vector<512x1xf32>
    %div3A_135 = arith.divf %mul3A_126, %add3A_133 : vector<512x1xf32>
    %add3A_136 = arith.addf %div3A_117, %broadcast_in_dim3A_114 : vector<512x1xf32>
    %mul3A_137 = arith.constant 1.500000e+00 : f32
    %mul3A_138 = vector.broadcast %mul3A_137 : f32 to vector<512x1xf32>
    %mul3A_139 = arith.mulf %mul3A_138, %div3A_117 : vector<512x1xf32>
    %div3A_140 = arith.divf %mul3A_139, %add3A_136 : vector<512x1xf32>
    %mul3A_141 = arith.constant 1.500000e+00 : f32
    %mul3A_142 = vector.broadcast %mul3A_141 : f32 to vector<512x1xf32>
    %mul3A_143 = arith.mulf %mul3A_142, %broadcast_in_dim3A_114 : vector<512x1xf32>
    %div3A_144 = arith.divf %mul3A_143, %add3A_136 : vector<512x1xf32>
    %mul3A_145 = arith.constant 8.000000e-01 : f32
    %mul3A_146 = vector.broadcast %mul3A_145 : f32 to vector<512x1xf32>
    %mul3A_147 = arith.mulf %mul3A_146, %mul3A_124 : vector<512x1xf32>
    %div3A_148 = arith.divf %mul3A_147, %add3A_136 : vector<512x1xf32>
    %mul3A_149 = arith.constant 8.000000e-01 : f32
    %mul3A_150 = vector.broadcast %mul3A_149 : f32 to vector<512x1xf32>
    %mul3A_151 = arith.mulf %mul3A_150, %mul3A_126 : vector<512x1xf32>
    %div3A_152 = arith.divf %mul3A_151, %add3A_136 : vector<512x1xf32>
    %broadcast_in_dim3A_153 = arith.constant 0.000000e+00 : f32
    %broadcast_in_dim3A_154 = vector.broadcast %broadcast_in_dim3A_153 : f32 to vector<512x1xf32>
    %mul3A_155 = arith.mulf %div3A_148, %div3A_117 : vector<512x1xf32>
    %neg3A = arith.constant 0.000000e+00 : f32
    %neg3A_156 = vector.broadcast %neg3A : f32 to vector<512x1xf32>
    %neg3A_157 = arith.subf %neg3A_156, %mul3A_155 : vector<512x1xf32>
    %mul3A_158 = arith.mulf %div3A_152, %div3A_117 : vector<512x1xf32>
    %neg3A_159 = arith.constant 0.000000e+00 : f32
    %neg3A_160 = vector.broadcast %neg3A_159 : f32 to vector<512x1xf32>
    %neg3A_161 = arith.subf %neg3A_160, %mul3A_158 : vector<512x1xf32>
    %mul3A_162 = arith.mulf %div3A_140, %div3A_134 : vector<512x1xf32>
    %mul3A_163 = arith.mulf %div3A_140, %div3A_135 : vector<512x1xf32>
    %mul3A_164 = arith.mulf %div3A_148, %broadcast_in_dim3A_114 : vector<512x1xf32>
    %mul3A_165 = arith.mulf %div3A_152, %broadcast_in_dim3A_114 : vector<512x1xf32>
    %mul3A_166 = arith.mulf %div3A_144, %div3A_134 : vector<512x1xf32>
    %neg3A_167 = arith.constant 0.000000e+00 : f32
    %neg3A_168 = vector.broadcast %neg3A_167 : f32 to vector<512x1xf32>
    %neg3A_169 = arith.subf %neg3A_168, %mul3A_166 : vector<512x1xf32>
    %mul3A_170 = arith.mulf %div3A_144, %div3A_135 : vector<512x1xf32>
    %neg3A_171 = arith.constant 0.000000e+00 : f32
    %neg3A_172 = vector.broadcast %neg3A_171 : f32 to vector<512x1xf32>
    %neg3A_173 = arith.subf %neg3A_172, %mul3A_170 : vector<512x1xf32>
    %neg3A_174 = arith.constant 0.000000e+00 : f32
    %neg3A_175 = vector.broadcast %neg3A_174 : f32 to vector<512x1xf32>
    %neg3A_176 = arith.subf %neg3A_175, %div3A_134 : vector<512x1xf32>
    %neg3A_177 = arith.constant 0.000000e+00 : f32
    %neg3A_178 = vector.broadcast %neg3A_177 : f32 to vector<512x1xf32>
    %neg3A_179 = arith.subf %neg3A_178, %div3A_135 : vector<512x1xf32>
    %convert_element_type3A_180 = arith.sitofp %broadcast_in_dim3A : vector<512x1xi32> to vector<512x1xf32>
    %gt3A_181 = arith.constant 0.000000e+00 : f32
    %gt3A_182 = vector.broadcast %gt3A_181 : f32 to vector<512x1xf32>
    %gt3A_183 = arith.cmpf ogt, %slice3A, %gt3A_182 : vector<512x1xf32>
    %convert_element_type3A_184 = arith.extui %gt3A_183 : vector<512x1xi1> to vector<512x1xi32>
    %convert_element_type3A_185 = arith.sitofp %convert_element_type3A_184 : vector<512x1xi32> to vector<512x1xf32>
    %concatenate3A = tpu.concatenate %neg3A_157, %neg3A_161, %mul3A_162, %mul3A_163, %mul3A_164, %mul3A_165, %neg3A_169, %neg3A_173, %neg3A_176, %neg3A_179, %div3A_134, %div3A_135, %convert_element_type3A_180, %convert_element_type3A_185, %broadcast_in_dim3A_154, %broadcast_in_dim3A_154 in 1 : vector<512x1xf32>, vector<512x1xf32>, vector<512x1xf32>, vector<512x1xf32>, vector<512x1xf32>, vector<512x1xf32>, vector<512x1xf32>, vector<512x1xf32>, vector<512x1xf32>, vector<512x1xf32>, vector<512x1xf32>, vector<512x1xf32>, vector<512x1xf32>, vector<512x1xf32>, vector<512x1xf32>, vector<512x1xf32> -> vector<512x16xf32>
    %swap3A = arith.constant 0 : index
    %swap3A_186 = arith.constant 0 : index
    %swap3A_187 = vector.load %arg6[%swap3A, %swap3A_186] : memref<512x16xf32, #tpu.memory_space<vmem>>, vector<512x16xf32>
    tpu.vector_store %arg6[%swap3A, %swap3A_186], %concatenate3A {strides = array<i32>} : memref<512x16xf32, #tpu.memory_space<vmem>>, vector<512x16xf32>,
    return
  }
  func.func @transform_0(%arg0: i32) -> (i32, i32) {
    %c0_i32 = arith.constant 0 : i32
    %c0_i32_0 = arith.constant 0 : i32
    %c0_i32_1 = arith.constant 0 : i32
    return %c0_i32, %c0_i32_0 : i32, i32
  }
  func.func @transform_1(%arg0: i32) -> (i32, i32) {
    %c0_i32 = arith.constant 0 : i32
    %c0_i32_0 = arith.constant 0 : i32
    return %arg0, %c0_i32 : i32, i32
  }
  func.func @transform_2(%arg0: i32) -> (i32, i32) {
    %c0_i32 = arith.constant 0 : i32
    %c0_i32_0 = arith.constant 0 : i32
    %c0_i32_1 = arith.constant 0 : i32
    return %c0_i32, %c0_i32_0 : i32, i32
  }
  func.func @transform_3(%arg0: i32) -> (i32, i32) {
    %c0_i32 = arith.constant 0 : i32
    %c0_i32_0 = arith.constant 0 : i32
    %c0_i32_1 = arith.constant 0 : i32
    return %c0_i32, %c0_i32_0 : i32, i32
  }
  func.func @transform_4(%arg0: i32) -> (i32, i32) {
    %c0_i32 = arith.constant 0 : i32
    %c0_i32_0 = arith.constant 0 : i32
    return %arg0, %c0_i32 : i32, i32
  }
  func.func @transform_5(%arg0: i32) -> (i32, i32) {
    %c0_i32 = arith.constant 0 : i32
    %c0_i32_0 = arith.constant 0 : i32
    return %arg0, %c0_i32 : i32, i32
  }
}

</mosaic_0001>

<sc_bundles>
// kernel: kernel.4.cloned.1.call-start
scs
__scs_entry_jumppad:
0x0: {  	(pc) =	sbr.rel $0x88, $3  }
0x1: {  	(tag) =	ssettag $0x0;
	lr =	simm.s32 $0x1  }
0x2: {  	[smem:$0x3F9D] =	sst lr;
	_ =	strace $0xD0000000  }
0x3: {  	_ = 	snop  }
0x4: {  	_ = 	snop  }
0x5: {  	_ = 	snop  }
0x6: {  	_ = 	snop  }
0x7: {  	_ = 	snop  }
__scs_overlays_trampoline_lowered:
0x8: {  	[smem:$0x3FAC] =	sst s0  }
0x9: {  	[smem:$0x3FAD] =	sst s1  }
0xa: {  	[smem:$0x3FAE] =	sst s2  }
0xb: {  	[smem:$0x3FAF] =	sst s3  }
0xc: {  	[smem:$0x3FB0] =	sst s4  }
0xd: {  	[smem:$0x3FB1] =	sst s5  }
0xe: {  	[smem:$0x3FB2] =	sst s6  }
0xf: {  	[smem:$0x3FB3] =	sst s7  }
0x10: {  	[smem:$0x3FB4] =	sst s8  }
0x11: {  	[smem:$0x3FB5] =	sst s9;
	s0 =	simm.s32 @!p0 $0x0  }
0x12: {  	s1 =	sld [smem:$0x3F9B];
	s0 =	simm.s32 @p0 $0x1  }
0x13: {  	[smem:$0x3FB6] =	sst s0;
	s0 =	simm.s32 @!p1 $0x0  }
0x14: {  	s2 =	sld [smem:$0x3F9A];
	s0 =	simm.s32 @p1 $0x1  }
0x15: {  	[smem:$0x3FB7] =	sst s0;
	s0 =	simm.s32 @!p2 $0x0  }
0x16: {  	s3 =	sld [smem:$0x3FDB];
	s0 =	simm.s32 @p2 $0x1  }
0x17: {  	s4 =	simm.s32 $0x1BF5;
	[smem:$0x3FB9] =	sst s0  }
0x18: {  	s0 =	sld [smem:$0x3F9C];
	_ =	swait.ge [sflag:s4], $0x0  }
0x19: {  	s7 =	sld [smem:$0x3F9D]  }
0x1a: {  	s8 =	sadd.s32 $0xFFFFE003, lr  }
0x1b: {  	s9 =	sadd.s32 $0xFFFFFEF7, lr;
	s5 =	simm.s32 $0xFFFFFFFF;
	p2 =	slt.u32 s8, $0xFFFFF086  }
0x1c: {  	p1 =	slt.u32 s9, $0xF7A;
	s5 =	simm.s32 @!p2 $0x0  }
0x1d: {  	s5 =	simm.s32 @p1 $0x1;
	p0 =	seq.s32 s7, s2  }
0x1e: {  	s7 =	smul.u32 @!p0 $0xF7A, s2;
	p2 =	seq.s32 @!p0 s5, $0x0  }
0x1f: {  	s9 =	smul.u32 $0xF7A, s1;
	s8 =	simm.s32 @!p0 $0x1BF5;
	p2 =	por !p2, p0  }
0x20: {  	[sflag:s8] =	ssyncset.s32 @!p0 $0xFFFFF086;
	s6 =	sadd.s32 @!p0 s3, s7;
	s7 =	simm.s32 @!p0 $0x108  }
0x21: {  	s3 =	sadd.s32 s3, s9;
	s6 =	sadd.s32 @!p0 $0x88, s6;
	s7 =	simm.s32 @p2 $0x1082  }
0x22: {  	[simem:s7], [sflag:s8] =	dma.local @!p0 [hbm:s6], $0xF7A  }
0x23: {  	s9 =	sor.u32 $0xD0000000, s2;
	s6 =	simm.s32 $0x108;
	_ =	swait.ge @!p0 [sflag:s8], $0x0  }
0x24: {  	s3 =	sadd.s32 $0x88, s3;
	s6 =	simm.s32 @!p1 $0x1082;
	[sflag:s4] =	ssyncset.s32 $0xFFFFF086  }
0x25: {  	[simem:s6], [sflag:s4] =	dma.local [hbm:s3], $0xF7A  }
0x26: {  	[smem:$0x3F9D] =	sst s1;
	(tag) =	ssettag s2;
	_ =	strace s9  }
0x27: {  	s1 =	sld [smem:$0x3FAD]  }
0x28: {  	s2 =	sld [smem:$0x3FAE]  }
0x29: {  	s4 =	sld [smem:$0x3FB0]  }
0x2a: {  	p0 =	seq.s32 s5, $0x0;
	s5 =	sld [smem:$0x3FB1]  }
0x2b: {  	s6 =	sld [smem:$0x3FB2]  }
0x2c: {  	s7 =	sld [smem:$0x3FB3]  }
0x2d: {  	s3 =	simm.s32 $0x108;
	s8 =	sld [smem:$0x3FB4]  }
0x2e: {  	s3 =	simm.s32 @!p0 $0x1082;
	s9 =	sld [smem:$0x3FB5]  }
0x2f: {  	lr =	sadd.s32 s0, s3;
	s0 =	sld [smem:$0x3FAC]  }
0x30: {  	s3 =	sld [smem:$0x3FAF]  }
0x31: {  	[smem:$0x3FB8] =	sst s10  }
0x32: {  	s10 =	sld [smem:$0x3FB6];
	_ =	sdelay $0x3  }
0x33: {  	p0 =	seq.s32 s10, $0x1;
	s10 =	sld [smem:$0x3FB8];
	_ =	sdelay $0x3  }
0x34: {  	[smem:$0x3FB8] =	sst s10  }
0x35: {  	s10 =	sld [smem:$0x3FB7];
	_ =	sdelay $0x3  }
0x36: {  	p1 =	seq.s32 s10, $0x1;
	s10 =	sld [smem:$0x3FB8];
	_ =	sdelay $0x3  }
0x37: {  	[smem:$0x3FB8] =	sst s10  }
0x38: {  	s10 =	sld [smem:$0x3FB9]  }
0x39: {  	_ = 	snop;
	(pc) =	sbr.ind lr, $3  }
0x3a: {  	_ = 	snop  }
0x3b: {  	_ = 	snop  }
0x3c: {  	p2 =	seq.s32 s10, $0x1;
	s10 =	sld [smem:$0x3FB8]  }
0x3d: {  	_ =	shalt  }
0x3e: {  	_ =	shalt  }
0x3f: {  	_ =	shalt  }
0x40: {  	_ =	shalt  }
0x41: {  	_ =	shalt  }
0x42: {  	_ =	shalt  }
0x43: {  	_ =	shalt  }
0x44: {  	_ =	shalt  }
0x45: {  	_ =	shalt  }
0x46: {  	_ =	shalt  }
0x47: {  	_ =	shalt  }
0x48: {  	_ =	shalt  }
0x49: {  	_ =	shalt  }
0x4a: {  	_ =	shalt  }
0x4b: {  	_ =	shalt  }
0x4c: {  	_ =	shalt  }
0x4d: {  	_ =	shalt  }
0x4e: {  	_ =	shalt  }
0x4f: {  	_ =	shalt  }
0x50: {  	_ =	shalt  }
0x51: {  	_ =	shalt  }
0x52: {  	_ =	shalt  }
0x53: {  	_ =	shalt  }
0x54: {  	_ =	shalt  }
0x55: {  	_ =	shalt  }
0x56: {  	_ =	shalt  }
0x57: {  	_ =	shalt  }
0x58: {  	_ =	shalt  }
0x59: {  	_ =	shalt  }
0x5a: {  	_ =	shalt  }
0x5b: {  	_ =	shalt  }
0x5c: {  	_ =	shalt  }
0x5d: {  	_ =	shalt  }
0x5e: {  	_ =	shalt  }
0x5f: {  	_ =	shalt  }
0x60: {  	_ =	shalt  }
0x61: {  	_ =	shalt  }
0x62: {  	_ =	shalt  }
0x63: {  	_ =	shalt  }
0x64: {  	_ =	shalt  }
0x65: {  	_ =	shalt  }
0x66: {  	_ =	shalt  }
0x67: {  	_ =	shalt  }
0x68: {  	_ =	shalt  }
0x69: {  	_ =	shalt  }
0x6a: {  	_ =	shalt  }
0x6b: {  	_ =	shalt  }
0x6c: {  	_ =	shalt  }
0x6d: {  	_ =	shalt  }
0x6e: {  	_ =	shalt  }
0x6f: {  	_ =	shalt  }
0x70: {  	_ =	shalt  }
0x71: {  	_ =	shalt  }
0x72: {  	_ =	shalt  }
0x73: {  	_ =	shalt  }
0x74: {  	_ =	shalt  }
0x75: {  	_ =	shalt  }
0x76: {  	_ =	shalt  }
0x77: {  	_ =	shalt  }
0x78: {  	_ =	shalt  }
0x79: {  	_ =	shalt  }
0x7a: {  	_ =	shalt  }
0x7b: {  	_ =	shalt  }
0x7c: {  	_ =	shalt  }
0x7d: {  	_ =	shalt  }
0x7e: {  	_ =	shalt  }
0x7f: {  	_ =	shalt  }
0x80: {  	_ =	shalt  }
0x81: {  	_ =	shalt  }
0x82: {  	_ =	shalt  }
0x83: {  	_ =	shalt  }
0x84: {  	_ =	shalt  }
0x85: {  	_ =	shalt  }
0x86: {  	_ =	shalt  }
0x87: {  	_ =	shalt  }
.Lfunc_end0:
.L_simem_size_0:
called_computation_lowered:
.L_overlay_start_0:
0x88: {  	s2 =	sld [smem:$0x3FD9]  }
0x89: {  	s3 =	sld [smem:$0x3FFE];
	_ =	sdelay $0x1  }
0x8a: {  	s1 =	srdreg.scid  }
0x8b: {  	s0 =	sand.u32 $0x1, s1  }
0x8c: {  	s17 =	sshll.u32 s0, $0xA;
	s2 =	sadd.s32 s3, s2  }
0x8d: {  	s2 =	sadd.s32 s2, s17  }
0x8e: {  	[smem:$0x3FC4] =	sst s2  }
0x8f: {  	_ = 	snop  }
0x90: {  	s2 =	sld [smem:$0x3FD0];
	(tm) =	ssettm $0x1  }
0x91: {  	s18 =	sld [smem:$0x3FFB];
	_ =	sdelay $0x3  }
0x92: {  	_ =	strace s18  }
0x93: {  	s3 =	sld [smem:$0x3FFC];
	_ =	sdelay $0x3  }
0x94: {  	_ =	strace s3  }
0x95: {  	s3 =	sld [smem:$0x3FFD];
	_ =	sdelay $0x3  }
0x96: {  	_ =	strace s3  }
0x97: {  	_ =	strace $0x8FFFFFFF  }
0x98: {  	s19 =	sld [smem:$0x3FDB];
	_ =	sdelay $0x1  }
0x99: {  	s4 =	simm.s32 $_scs_section_size  }
0x9a: {  	s5 =	simm.s32 $_size__tile_overlayer_lowered;
	s6 =	simm.s32 $_tile_overlayer_lowered  }
0x9b: {  	s22 =	simm.s32 $0x1BFF;
	s21 =	sshll.u32 s6, $0x1;
	s3 =	sadd.s32 s4, s19  }
0x9c: {  	s7 =	simm.s32 $0x0;
	s20 =	sshll.u32 s5, $0x1;
	s5 =	sadd.s32 s21, s3  }
0x9d: {  	[timem:s7], [sflag:s22] =	dma.local [hbm:s5], s20  }
0x9e: {  	_ =	swait.ge [sflag:s22], s20  }
0x9f: {  	s4 =	ssub.s32 $0x0, s20;
	[sflag:s22] =	ssyncset.done $0x0  }
0xa0: {  	[sflag:s22] =	ssyncadd.s32 s4;
	_ =	sdelay $0x1  }
0xa1: {  	s23 =	simm.s32 $0x1B8B  }
0xa2: {  	_ =	swait.ge [sflag:s23], $0x1  }
0xa3: {  	[sflag:s23] =	ssyncset.done $0x0  }
0xa4: {  	s25 =	simm.s32 $0x1B8E;
	s24 =	sld [smem:$0x3FFE];
	[sflag:s23] =	ssyncadd.s32 $0xFFFFFFFF  }
0xa5: {  	s26 =	simm.s32 $execute0_lowered;
	[smem:$0x3FD2] =	sst s25  }
0xa6: {  	s5 =	sshll.u32 s26, $0x1;
	_ =	strace $0x80000046;
	[dreg:$0x1] =	wrdreg $0xFFFFFFFF  }
0xa7: {  	s28 =	simm.s32 $_size_execute0_lowered;
	s3 =	sadd.s32 s3, s5;
	[dreg:$0x0] =	wrdreg $0x0  }
0xa8: {  	s5 =	sshll.u32 s28, $0x1;
	[dreg:$0x2] =	wrdreg s3  }
0xa9: {  	[dreg:$0x3] =	wrdreg s5  }
0xaa: {  	[dreg:$0x4] =	wrdreg $0xC0  }
0xab: {  	_ =	task [dreg:s7], $0x5FFFF  }
0xac: {  	[dreg:$0x1] =	wrdreg $0xFFFFFFFF  }
0xad: {  	[dreg:$0x0] =	wrdreg $0x60  }
0xae: {  	[dreg:$0x2] =	wrdreg s2  }
0xaf: {  	[dreg:$0x3] =	wrdreg s24  }
0xb0: {  	[dreg:$0x4] =	wrdreg $0x9  }
0xb1: {  	_ =	task.clear_ibuf [dreg:s7], $0x5FFFF;
	_ =	strace $0x90000046  }
0xb2: {  	s29 =	simm.s32 $0x9;
	_ =	strace $0x80000048  }
0xb3: {  	_ =	swait.ge [sflag:s29], $0x1  }
0xb4: {  	[sflag:s29] =	ssyncadd.s32 $0xFFFFFFFF  }
0xb5: {  	_ =	strace $0x90000048  }
0xb6: {  	_ =	sfence  }
0xb7: {  	s30 =	sld [smem:$0x0];
	_ =	sdelay $0x2  }
0xb8: {  	s31 =	sshll.u32 s1, $0xD;
	s1 =	sshrl.u32 s1, $0x2  }
0xb9: {  	s3 =	sand.u32 $0x4000, s31;
	s1 =	sadd.s32 s1, s30  }
0xba: {  	s0 =	sor.u32 s3, s0;
	s1 =	sshll.u32 s1, $0x11  }
0xbb: {  	s0 =	sor.u32 s1, s0  }
0xbc: {  	s0 =	sadd.s32 $0x8F2B, s0  }
0xbd: {  	[sflag:s0] =	ssyncadd.remote.s32 $0x1  }
0xbe: {  	_ =	sfence.sel $0xFFFF  }
0xbf: {  	[dreg:$0x0] =	wrdreg $0xFFFFFFFF;
	(pc) =	sbr.abs _section_cstart, $3  }
0xc0: {  	[dreg:$0x1] =	wrdreg $0xFFFFFFFF  }
0xc1: {  	_ =	task.clear_ibuf [dreg:s7], $0x2FFFF;
	_ =	strace $0x9FFFFFFF  }
0xc2: {  	(tm) =	ssettm $0x7FFFFFFF  }
0xc3: {  	_ =	shalt  }
tec
execute0_lowered:
.L_overlay_start_1:
0x0: {  	(tag) =	ssettag $0x1  }
0x1: {  	s0 =	srdreg.scid  }
0x2: {  	s3 =	sand.u32 $0x1, s0;
	s0 =	stileid.u32  }
0x3: {  	s4 =	sor.u32 s0, s3  }
0x4: {  	p0 =	sne.s32 s4, $0x0  }
.Ltmp0:
0x5: {  	_ = 	snop;
	(pc) =	sbr.rel @!p0 .LBB2_1-.Ltmp0, $4  }
0x6: {  	_ = 	snop  }
0x7: {  	s2 =	rddreg [dreg:$0x0]  }
0x8: {  	s6 =	rddreg [dreg:$0x1]  }
0x9: {  	s1 =	rddreg [dreg:$0x2];
	_ =	strace $0x80000047  }
.LBB2_14:
0xa: {  	_ =	sfence.sel $0x180000  }
0xb: {  	[bflag:$0x0] =	sbarrier.arrive $0xFFFF  }
0xc: {  	p0 =	sne.s32 s0, $0x0;
	_ =	strace $0x90000047  }
0xd: {  	s0 =	sadd.s32 @!p0 $0x100000, s1;
	[bflag:$0x2] =	sbarrier.arrive $0xFFFF  }
0xe: {  	[sflag:s0] =	ssyncadd.tile.s32 @!p0 $0x1;
	_ =	shalt  }
.LBB2_1:
0xf: {  	v0 =	vimm.s32 $0x0;
	vm0 =	vcmask $0x704  }
0x10: {  	vm1 =	vcmask $0x1F10;
	v1 =	vsel vm0, $0x1, v0;
	vm0 =	vcmask $0xB08  }
0x11: {  	vm2 =	vcmask $0x720;
	v1 =	vsel vm0, $0x800, v1;
	vm0 =	vcmask $0xF0C  }
0x12: {  	v4 =	vsel vm1, $0x1, v0;
	v2 =	vsel vm0, $0x801, v1;
	vm0 =	vcmask $0x1714  }
0x13: {  	vm1 =	vcmask $0x2F28;
	v3 =	vsel vm0, $0x1, v2;
	vm0 =	vcmask $0x1B18  }
0x14: {  	s7 =	ssub.s32 $0x2, s3;
	s3 =	sadd.s32 $0x1A00, s6;
	v4 =	vsel vm1, $0x1, v4;
	v3 =	vsel vm0, $0x800, v3;
	vm0 =	vcmask $0x1F1C  }
.Ltmp1:
0x15: {  	s4 =	sadd.s32 $0x1200, s6;
	s5 =	sadd.s32 $0x1C00, s6;
	vm1 =	vcmask $0x1710;
	v3 =	vsel vm0, $0x801, v3;
	vm0 =	vcmask $0x2320;
	(pc) =	sbr.rel .LBB2_2-.Ltmp1, $4  }
0x16: {  	s6 =	sadd.s32 $0x1E00, s6;
	s9 =	simm.s32 $0x1;
	s10 =	simm.s32 $0x800;
	v1 =	vlaneseq.u32;
	v3 =	vsel vm0, $0x800, v3;
	vm0 =	vcmask $0x2724  }
0x17: {  	s11 =	simm.s32 $0x1000;
	s12 =	simm.s32 $0x5800;
	s13 =	simm.s32 $0x5C00;
	vm1 =	vmor vm2, vm1;
	v5 =	vsel vm0, $0x801, v3;
	vm0 =	vcmask $0x2B28  }
0x18: {  	s14 =	simm.s32 $0x6080;
	s15 =	simm.s32 $0x5000;
	s8 =	sshrl.u32 s7, $0x1;
	v2 =	vmul.u32 $0x10, v1;
	v5 =	vsel vm0, $0x800, v5;
	vm0 =	vcmask $0x2F2C  }
0x19: {  	s16 =	simm.s32 $0x0;
	s7 =	ssub.s32 s7, s8;
	s8 =	simm.s32 $0x0;
	v3 =	vimm.s32 $0x1;
	v5 =	vsel vm0, $0x801, v5;
	vm0 =	vcmask $0x1F30  }
.LBB2_9:
0x1a: {  	_ = 	snop  }
.LBB2_12:
0x1b: {  	_ =	sdelay $0x1  }
0x1c: {  	v10 =	vnsel @p0 vm2, $0x0, v10  }
0x1d: {  	v7 =	vsel @p0 vm1, v7, v10  }
0x1e: {  	[tilespmem:v6+s8+$0x0] =	vst.idx.add.f32.msk @p0 $0xff, v7  }
0x1f: {  	v6 =	vld.idx.msk [tilespmem:v8+s15+$0x0], $0xffff  }
0x20: {  	v7 =	vld.idx.msk [tilespmem:v9+s15+$0x0], $0xffff;
	_ =	sdelay $0x3  }
0x21: {  	v6 =	vshll.u32 v6, $0x1  }
0x22: {  	v7 =	vshll.u32 v7, $0x4;
	v6 =	vadd.s32 v5, v6  }
0x23: {  	v7 =	vor.u32 v1, v7;
	_ =	sdelay $0x3  }
0x24: {  	v62 =	vld.idx.msk [tilespmem:v6+s8+$0x0], $0xffff  }
0x25: {  	v7 =	vld.idx.msk [tilespmem:v7+s11+$0x0], $0xffff;
	_ =	sdelay $0x4  }
0x26: {  	v8 =	vmul.f32 v62, v7;
	_ =	sdelay $0x1  }
0x27: {  	v8 =	vsel vm0, $0x0, v8  }
0x28: {  	(xrf2) =	vadd.scan.msk.f32 $0xffff, v8;
	_ =	sdelay $0x9  }
0x29: {  	v8, _, _ =	vpop (xrf2)  }
0x2a: {  	v8 =	vbroadcast v8, $0xF;
	_ =	sdelay $0x1  }
0x2b: {  	v63 =	vmul.f32 v8, v7  }
0x2c: {  	vm2 =	vlt.f32 v8, $0.0e+00  }
0x2d: {  	v8 =	vnsel vm2, $0x0, v63  }
0x2e: {  	v7 =	vsel vm1, v7, v8  }
0x2f: {  	[tilespmem:v6+s8+$0x0] =	vst.idx.add.f32.msk $0xff, v7  }
.LBB2_13:
0x30: {  	[hbm4b:s5+s8] =	stream.linear.scatter [tilespmem:s8], [sflag:$0x1], $0x800, $0x38;
	[tilespmem:$0x6500] =	vst v63  }
0x31: {  	s16 =	sadd.s32 $0x1, s16;
	_ =	swait.ge [sflag:s9], $0x800  }
0x32: {  	p0 =	sne.s32 s16, s7;
	[sflag:s9] =	ssyncset.done $0x0  }
.Ltmp2:
0x33: {  	[sflag:s9] =	ssyncadd.s32 $0xFFFFF800;
	(pc) =	sbr.rel @!p0 .LBB2_14-.Ltmp2, $4  }
0x34: {  	[hbm4b:s6+s8] =	stream.linear.scatter [tilespmem:s10], [sflag:$0x1], $0x800, $0x38;
	[tilespmem:$0x6500] =	vst v63  }
0x35: {  	_ =	swait.ge [sflag:s9], $0x800  }
0x36: {  	[sflag:s9] =	ssyncset.done $0x0  }
0x37: {  	[sflag:s9] =	ssyncadd.s32 $0xFFFFF800  }
.LBB2_2:
0x38: {  	[tilespmem:s8], [sflag:$0x1] =	stream.linear.gather [hbm4b:s2+s8], $0x800, $0x38;
	[tilespmem:$0x6500] =	vst v63  }
0x39: {  	_ =	swait.ge [sflag:s9], $0x800  }
0x3a: {  	[sflag:s9] =	ssyncset.done $0x0  }
0x3b: {  	[sflag:s9] =	ssyncadd.s32 $0xFFFFF800  }
0x3c: {  	[tilespmem:s10], [sflag:$0x1] =	stream.linear.gather [hbm4b:s3+s8], $0x800, $0x38;
	[tilespmem:$0x6500] =	vst v63  }
0x3d: {  	_ =	swait.ge [sflag:s9], $0x800  }
0x3e: {  	[sflag:s9] =	ssyncset.done $0x0  }
0x3f: {  	[sflag:s9] =	ssyncadd.s32 $0xFFFFF800  }
0x40: {  	[tilespmem:s11], [sflag:$0x1] =	stream.linear.gather [hbm4b:s4+s8], $0x4000, $0x38;
	[tilespmem:$0x6500] =	vst v63  }
0x41: {  	_ =	swait.ge [sflag:s9], $0x4000  }
0x42: {  	[sflag:s9] =	ssyncset.done $0x0  }
0x43: {  	s17 =	simm.s32 $0x5800;
	s18 =	simm.s32 $0x0;
	[sflag:s9] =	ssyncadd.s32 $0xFFFFC000  }
.LBB2_3:
0x44: {  	v6 =	vmov s18  }
0x45: {  	v6 =	vshll.u32 v6, $0x4  }
0x46: {  	v6 =	vor.u32 v2, v6  }
0x47: {  	v7 =	vor.u32 $0xD, v6;
	_ =	sdelay $0x1  }
0x48: {  	v6 =	vor.u32 $0xC, v6;
	_ =	sdelay $0x2  }
0x49: {  	v7 =	vld.idx.msk [tilespmem:v7+s11+$0x0], $0xffff;
	_ =	sdelay $0x1  }
0x4a: {  	v6 =	vld.idx.msk [tilespmem:v6+s11+$0x0], $0xffff;
	_ =	sdelay $0x2  }
0x4b: {  	v7 =	vtrunc.f32 v7  }
0x4c: {  	v7 =	vcvt.f32.s32 v7  }
0x4d: {  	v6 =	vtrunc.f32 v6  }
0x4e: {  	v6 =	vcvt.f32.s32 v6;
	vm2 =	vgt.s32 v7, $0x0  }
0x4f: {  	p0 =	sne.s32 s18, $0x3F0  }
.Ltmp3:
0x50: {  	_ = 	snop;
	(pc) =	sbr.rel @p0 .LBB2_3-.Ltmp3, $3  }
0x51: {  	_ =	sdelay $0x1  }
0x52: {  	s19 =	simm.s32 $0x5800;
	[tilespmem:s17+$0x0] =	vst v7  }
0x53: {  	s18 =	sadd.s32 $0x10, s18;
	s17 =	sadd.s32 $0x10, s17;
	[tilespmem:v6+s19+$0x0] =	vst.idx.add.s32.msk vm2, v3  }
0x54: {  	s17 =	simm.s32 $0x0  }
0x55: {  	v7 =	vor.u32 s17, v1  }
0x56: {  	v6 =	vshll.u32 v7, $0x4  }
0x57: {  	v8 =	vor.u32 $0xC, v6;
	_ =	sdelay $0x4  }
0x58: {  	v8 =	vld.idx.msk [tilespmem:v8+s11+$0x0], $0xffff;
	_ =	sdelay $0x4  }
0x59: {  	v8 =	vtrunc.f32 v8  }
0x5a: {  	v8 =	vcvt.f32.s32 v8;
	_ =	sdelay $0x1  }
0x5b: {  	v6 =	vor.u32 $0xD, v6;
	_ =	sdelay $0x2  }
0x5c: {  	v9 =	vld [tilespmem:s19+$0x0]  }
0x5d: {  	v10 =	vld.idx.msk [tilespmem:v8+s12+$0x0], $0xffff  }
0x5e: {  	v6 =	vld.idx.msk [tilespmem:v6+s11+$0x0], $0xffff;
	_ =	sdelay $0x3  }
0x5f: {  	vm2 =	veq.s32 v9, $0x1;
	vm3 =	veq.s32 v10, $0x1  }
0x60: {  	vm4 =	vgt.f32 v6, $0.0e+00;
	vm2 =	vmand vm2, vm3  }
0x61: {  	vm5 =	vne.s32 v10, $0x1;
	vm3 =	vne.s32 v9, $0x1;
	vm2 =	vmand vm4, vm2  }
0x62: {  	vm3 =	vmor vm3, vm5;
	v6 =	vsel vm2, $0x1, v0  }
0x63: {  	vm3 =	vmand vm4, vm3;
	(xrf0) =	vadd.scan.msk.s32 $0xffff, v6  }
0x64: {  	v6 =	vsel vm3, $0x1, v0  }
0x65: {  	(xrf0) =	vadd.scan.msk.s32 $0xffff, v6;
	_ =	sdelay $0x1  }
0x66: {  	v6 =	vmov s17  }
0x67: {  	v6 =	vadd.s32 $0xFFFFFFFF, v6  }
0x68: {  	v6 =	vbroadcast v6, $0x0;
	v9, _, _ =	vpop (xrf0)  }
0x69: {  	(v2sf) =	vpush v9, $0xF  }
0x6a: {  	v9 =	vadd.s32 v6, v9;
	v10, _, _ =	vpop (xrf0)  }
0x6b: {  	s18 =	simm.s32 $0x10;
	v11 =	vadd.s32 v6, v10;
	(v2sf) =	vpush v10, $0xF  }
0x6c: {  	v6 =	vor.u32 s18, v1;
	v11 =	vshll.u32 v11, $0x1  }
0x6d: {  	v12 =	vshll.u32 v6, $0x4;
	v13 =	vor.u32 $0x1, v11  }
0x6e: {  	v14 =	vor.u32 $0xC, v12  }
0x6f: {  	[tilespmem:v9+s13+$0x0] =	vst.idx.msk vm2, v7  }
0x70: {  	[tilespmem:v9+s14+$0x0] =	vst.idx.msk vm2, v8  }
0x71: {  	[tilespmem:v11+s15+$0x0] =	vst.idx.msk vm3, v7  }
0x72: {  	[tilespmem:v13+s15+$0x0] =	vst.idx.msk vm3, v8  }
0x73: {  	v8 =	vld.idx.msk [tilespmem:v14+s11+$0x0], $0xffff;
	_ =	sdelay $0x3  }
0x74: {  	s22 =	simm.s32 $0x20  }
0x75: {  	s19 =	simm.s32 $0x5810;
	s18 =	simm.s32 $0x0;
	v7 =	vor.u32 $0xD, v12;
	v8 =	vtrunc.f32 v8;
	s21 =	spop (v2sf)  }
.LBB2_5:
0x76: {  	s17 =	sadd.s32 s17, s21  }
0x77: {  	v8 =	vcvt.f32.s32 v8;
	s21 =	spop (v2sf);
	s23 =	smov.u32 s22;
	s20 =	sadd.s32 $0x10, s22  }
0x78: {  	p0 =	sne.s32 s22, $0x3F0;
	v9 =	vmov s17;
	s18 =	sadd.s32 s18, s21  }
0x79: {  	v9 =	vadd.s32 $0xFFFFFFFF, v9;
	v10 =	vmov s18  }
0x7a: {  	v10 =	vadd.s32 $0xFFFFFFFF, v10;
	_ =	sdelay $0x1  }
0x7b: {  	v11 =	vld [tilespmem:s19+$0x0]  }
0x7c: {  	v12 =	vld.idx.msk [tilespmem:v8+s12+$0x0], $0xffff  }
0x7d: {  	v7 =	vld.idx.msk [tilespmem:v7+s11+$0x0], $0xffff;
	_ =	sdelay $0x3  }
0x7e: {  	vm2 =	vne.s32 v11, $0x1  }
0x7f: {  	vm3 =	veq.s32 v11, $0x1;
	vm4 =	veq.s32 v12, $0x1;
	vm5 =	vne.s32 v12, $0x1  }
0x80: {  	vm6 =	vgt.f32 v7, $0.0e+00;
	vm3 =	vmand vm3, vm4;
	vm2 =	vmor vm2, vm5  }
0x81: {  	vm3 =	vmand vm6, vm3;
	vm2 =	vmand vm6, vm2  }
0x82: {  	v7 =	vsel vm3, $0x1, v0;
	v11 =	vsel vm2, $0x1, v0  }
0x83: {  	(xrf0) =	vadd.scan.msk.s32 $0xffff, v7  }
0x84: {  	(xrf0) =	vadd.scan.msk.s32 $0xffff, v11;
	_ =	sdelay $0x3  }
0x85: {  	v12 =	vbroadcast v9, $0x0  }
0x86: {  	v9 =	vbroadcast v10, $0x0;
	v10, _, _ =	vpop (xrf0)  }
0x87: {  	v11 =	vadd.s32 v12, v10;
	v7, _, _ =	vpop (xrf0);
	(v2sf) =	vpush v10, $0xF  }
0x88: {  	v9 =	vadd.s32 v9, v7;
	(v2sf) =	vpush v7, $0xF  }
0x89: {  	v10 =	vor.u32 s23, v1;
	v9 =	vshll.u32 v9, $0x1  }
0x8a: {  	v12 =	vshll.u32 v10, $0x4;
	v13 =	vor.u32 $0x1, v9  }
0x8b: {  	v7 =	vor.u32 $0xD, v12;
	v12 =	vor.u32 $0xC, v12  }
0x8c: {  	[tilespmem:v11+s13+$0x0] =	vst.idx.msk vm3, v6  }
0x8d: {  	[tilespmem:v11+s14+$0x0] =	vst.idx.msk vm3, v8  }
0x8e: {  	[tilespmem:v9+s15+$0x0] =	vst.idx.msk vm2, v6;
	v6 =	vmov v10  }
0x8f: {  	[tilespmem:v13+s15+$0x0] =	vst.idx.msk vm2, v8  }
0x90: {  	v8 =	vld.idx.msk [tilespmem:v12+s11+$0x0], $0xffff;
	_ =	sdelay $0x1  }
.Ltmp4:
0x91: {  	(pc) =	sbr.rel @p0 .LBB2_5-.Ltmp4, $2  }
0x92: {  	_ =	sdelay $0x2  }
0x93: {  	s22 =	smov.u32 s20;
	s19 =	sadd.s32 $0x10, s19;
	v8 =	vtrunc.f32 v8;
	s21 =	spop (v2sf)  }
0x94: {  	v8 =	vcvt.f32.s32 v8;
	_ =	sdelay $0x4  }
0x95: {  	v9 =	vld [tilespmem:s19+$0x0]  }
0x96: {  	v10 =	vld.idx.msk [tilespmem:v8+s12+$0x0], $0xffff  }
0x97: {  	v7 =	vld.idx.msk [tilespmem:v7+s11+$0x0], $0xffff;
	_ =	sdelay $0x3  }
0x98: {  	vm2 =	veq.s32 v9, $0x1;
	vm3 =	veq.s32 v10, $0x1  }
0x99: {  	vm4 =	vgt.f32 v7, $0.0e+00;
	vm2 =	vmand vm2, vm3  }
0x9a: {  	vm2 =	vmand vm4, vm2  }
0x9b: {  	v7 =	vsel vm2, $0x1, v0  }
0x9c: {  	(xrf0) =	vadd.scan.msk.s32 $0xffff, v7;
	_ =	sdelay $0x5  }
0x9d: {  	v7, _, _ =	vpop (xrf0)  }
0x9e: {  	(v2sf) =	vpush v7, $0xF;
	_ =	sdelay $0x1  }
0x9f: {  	vm5 =	vne.s32 v10, $0x1;
	vm3 =	vne.s32 v9, $0x1  }
0xa0: {  	vm3 =	vmor vm3, vm5  }
0xa1: {  	vm3 =	vmand vm4, vm3  }
0xa2: {  	v60 =	vsel vm3, $0x1, v0  }
0xa3: {  	(xrf0) =	vadd.scan.msk.s32 $0xffff, v60;
	_ =	sdelay $0x5  }
0xa4: {  	v9, _, _ =	vpop (xrf0)  }
0xa5: {  	(v2sf) =	vpush v9, $0xF  }
0xa6: {  	s26 =	spop (v2sf);
	s20 =	sadd.s32 s17, s21  }
0xa7: {  	v61 =	vmov s20;
	s17 =	sadd.s32 s18, s26;
	s28 =	spop (v2sf)  }
0xa8: {  	v11 =	vmov s17;
	v10 =	vadd.s32 $0xFFFFFFFF, v61;
	s18 =	sadd.s32 s20, s28  }
0xa9: {  	v11 =	vadd.s32 $0xFFFFFFFF, v11;
	v10 =	vbroadcast v10, $0x0;
	s29 =	sadd.s32 $0xF, s18  }
0xaa: {  	v11 =	vbroadcast v11, $0x0;
	s30 =	sand.u32 $0xF, s29  }
0xab: {  	v7 =	vadd.s32 v10, v7;
	s31 =	sshra.s32 s29, $0x1F;
	p0 =	slt.s32 s29, $0x1;
	p1 =	sne.s32 s30, $0x0  }
0xac: {  	v9 =	vadd.s32 v11, v9;
	v63 =	vadd.s32 s18, v1;
	s18 =	sshrl.u32 s31, $0x1C;
	p0 =	por !p0, !p1  }
0xad: {  	v9 =	vshll.u32 v9, $0x1;
	s20 =	simm.s32 $0x1;
	s18 =	sadd.s32 s18, s29;
	p0 =	por !p0, !p0  }
0xae: {  	v62 =	vor.u32 $0x1, v9;
	s18 =	sshra.s32 s18, $0x4;
	s20 =	simm.s32 @!p0 $0x0  }
0xaf: {  	s20 =	ssub.s32 s18, s20  }
0xb0: {  	[tilespmem:v7+s13+$0x0] =	vst.idx.msk vm2, v6;
	p0 =	sgt.s32 s20, $0x0  }
.Ltmp5:
0xb1: {  	[tilespmem:v7+s14+$0x0] =	vst.idx.msk vm2, v8;
	(pc) =	sbr.rel @!p0 .LBB2_7-.Ltmp5, $4  }
0xb2: {  	[tilespmem:v9+s15+$0x0] =	vst.idx.msk vm3, v6  }
0xb3: {  	s19 =	simm.s32 $0x5C00;
	[tilespmem:v62+s15+$0x0] =	vst.idx.msk vm3, v8  }
0xb4: {  	s21 =	simm.s32 $0x6080;
	[tilespmem:v63+s19+$0x0] =	vst.idx.msk $0xffff, v0;
	s18 =	spop (v2sf)  }
0xb5: {  	[tilespmem:v63+s21+$0x0] =	vst.idx.msk $0xffff, v0;
	s22 =	sadd.s32 s17, s18  }
.LBB2_15:
0xb6: {  	v6 =	vld [tilespmem:s19+$0x0]  }
0xb7: {  	v8 =	vld [tilespmem:s21+$0x0];
	_ =	sdelay $0x3  }
0xb8: {  	v7 =	vshll.u32 v6, $0x4  }
0xb9: {  	v6 =	vshll.u32 v6, $0x1;
	v8 =	vshll.u32 v8, $0x1;
	v9 =	vor.u32 $0x8, v7  }
0xba: {  	v10 =	vor.u32 $0x9, v7;
	v11 =	vor.u32 $0xA, v7;
	v12 =	vadd.s32 $0x800, v6  }
0xbb: {  	v13 =	vadd.s32 $0x801, v6;
	v14 =	vor.u32 $0xB, v7;
	v16 =	vor.u32 $0x2, v7  }
0xbc: {  	v19 =	vor.u32 $0x3, v7;
	v21 =	vor.u32 $0x6, v7;
	v23 =	vor.u32 $0x1, v7  }
0xbd: {  	v24 =	vor.u32 $0x4, v7;
	v26 =	vor.u32 $0x5, v7;
	v55 =	vor.u32 $0x7, v7;
	v7 =	vld.idx.msk [tilespmem:v7+s11+$0x0], $0xffff  }
0xbe: {  	v15 =	vadd.s32 $0x800, v8;
	v9 =	vld.idx.msk [tilespmem:v9+s11+$0x0], $0xffff  }
0xbf: {  	v10 =	vld.idx.msk [tilespmem:v10+s11+$0x0], $0xffff  }
0xc0: {  	v18 =	vadd.s32 $0x801, v8;
	v17 =	vld.idx.msk [tilespmem:v12+s8+$0x0], $0xffff  }
0xc1: {  	v20 =	vld.idx.msk [tilespmem:v13+s8+$0x0], $0xffff  }
0xc2: {  	v11 =	vld.idx.msk [tilespmem:v11+s11+$0x0], $0xffff  }
0xc3: {  	v22 =	vld.idx.msk [tilespmem:v15+s8+$0x0], $0xffff  }
0xc4: {  	v14 =	vld.idx.msk [tilespmem:v14+s11+$0x0], $0xffff  }
0xc5: {  	v25 =	vld.idx.msk [tilespmem:v18+s8+$0x0], $0xffff  }
0xc6: {  	v16 =	vld.idx.msk [tilespmem:v16+s11+$0x0], $0xffff;
	v9 =	vmul.f32 v17, v9;
	v10 =	vmul.f32 v20, v10  }
0xc7: {  	v19 =	vld.idx.msk [tilespmem:v19+s11+$0x0], $0xffff  }
0xc8: {  	v54 =	vld.idx.msk [tilespmem:v21+s11+$0x0], $0xffff;
	v56 =	vmul.f32 v22, v11;
	v9 =	vadd.f32 v10, v9  }
0xc9: {  	v58 =	vor.u32 $0x1, v6;
	v57 =	vld.idx.msk [tilespmem:v23+s11+$0x0], $0xffff  }
0xca: {  	v59 =	vld.idx.msk [tilespmem:v24+s11+$0x0], $0xffff;
	v60 =	vmul.f32 v25, v14;
	v9 =	vadd.f32 v56, v9  }
0xcb: {  	v62 =	vor.u32 $0x1, v8;
	v61 =	vld.idx.msk [tilespmem:v26+s11+$0x0], $0xffff  }
0xcc: {  	v20 =	vld.idx.msk [tilespmem:v55+s11+$0x0], $0xffff;
	v9 =	vadd.f32 v60, v9  }
0xcd: {  	[tilespmem:v6+s8+$0x0] =	vst.idx.add.f32.msk $0xffff, v7  }
0xce: {  	[tilespmem:v58+s8+$0x0] =	vst.idx.add.f32.msk $0xffff, v57;
	v6 =	vmul.f32 v9, v16  }
0xcf: {  	p0 =	seq.s32 s20, $0x1;
	[tilespmem:v8+s8+$0x0] =	vst.idx.add.f32.msk $0xffff, v59;
	vm2 =	vlt.f32 v9, $0.0e+00;
	v7 =	vmul.f32 v9, v19  }
.Ltmp6:
0xd0: {  	[tilespmem:v62+s8+$0x0] =	vst.idx.add.f32.msk $0xffff, v61;
	v63 =	vmul.f32 v9, v54;
	v6 =	vnsel vm2, $0x0, v6;
	(pc) =	sbr.rel @!p0 .LBB2_15-.Ltmp6, $4  }
0xd1: {  	[tilespmem:v12+s8+$0x0] =	vst.idx.add.f32.msk $0xffff, v6;
	v6 =	vnsel vm2, $0x0, v7;
	v7 =	vmul.f32 v9, v20  }
0xd2: {  	[tilespmem:v13+s8+$0x0] =	vst.idx.add.f32.msk $0xffff, v6;
	v6 =	vnsel vm2, $0x0, v63  }
0xd3: {  	[tilespmem:v15+s8+$0x0] =	vst.idx.add.f32.msk $0xffff, v6;
	v6 =	vnsel vm2, $0x0, v7  }
0xd4: {  	s19 =	sadd.s32 $0x10, s19;
	s21 =	sadd.s32 $0x10, s21;
	s20 =	sadd.s32 $0xFFFFFFFF, s20;
	[tilespmem:v18+s8+$0x0] =	vst.idx.add.f32.msk $0xffff, v6  }
.LBB2_7:
0xd5: {  	p0 =	slt.s32 s22, $0x1  }
.Ltmp7:
0xd6: {  	_ = 	snop;
	(pc) =	sbr.rel @p0 .LBB2_13-.Ltmp7, $1  }
0xd7: {  	_ =	sdelay $0x3  }
0xd8: {  	s17 =	sadd.s32 s17, s18  }
0xd9: {  	p1 =	sne.s32 s17, $0x1  }
.Ltmp8:
0xda: {  	_ = 	snop;
	(pc) =	sbr.rel @!p1 .LBB2_9-.Ltmp8, $3  }
0xdb: {  	_ =	sdelay $0x1  }
0xdc: {  	s31 =	simm.s32 $0x0  }
0xdd: {  	p0 =	por $0x0, $0x0;
	v8 =	vor.u32 s31, v4;
	v9 =	vmov s31;
	s18 =	sadd.s32 $0xFFFFFFFF, s17  }
0xde: {  	_ =	sdelay $0x3  }
0xdf: {  	v6 =	vld.idx.msk [tilespmem:v8+s15+$0x0], $0xffff  }
0xe0: {  	v7 =	vld.idx.msk [tilespmem:v9+s15+$0x0], $0xffff;
	_ =	sdelay $0x3  }
0xe1: {  	v6 =	vshll.u32 v6, $0x1  }
0xe2: {  	v7 =	vshll.u32 v7, $0x4;
	v6 =	vadd.s32 v5, v6  }
0xe3: {  	v7 =	vor.u32 v1, v7;
	_ =	sdelay $0x3  }
0xe4: {  	v8 =	vld.idx.msk [tilespmem:v6+s8+$0x0], $0xffff  }
0xe5: {  	v7 =	vld.idx.msk [tilespmem:v7+s11+$0x0], $0xffff;
	_ =	sdelay $0x4  }
0xe6: {  	v8 =	vmul.f32 v8, v7;
	_ =	sdelay $0x1  }
0xe7: {  	v8 =	vsel vm0, $0x0, v8  }
0xe8: {  	(xrf2) =	vadd.scan.msk.f32 $0xffff, v8;
	_ =	sdelay $0x8  }
0xe9: {  	p1 =	sne.s32 s18, $0x1  }
.Ltmp9:
0xea: {  	v8, _, _ =	vpop (xrf2);
	(pc) =	sbr.rel @!p1 .LBB2_12-.Ltmp9, $4  }
0xeb: {  	v11 =	vbroadcast v8, $0xF  }
0xec: {  	s17 =	simm.s32 $0x2  }
0xed: {  	v8 =	vor.u32 s17, v4;
	v10 =	vmul.f32 v11, v7  }
0xee: {  	s18 =	sadd.s32 $0xFFFFFFFF, s18;
	p0 =	por $0x1, $0x1;
	v9 =	vmov s17;
	vm2 =	vlt.f32 v11, $0.0e+00  }
.LBB2_11:
0xef: {  	p1 =	sne.s32 s18, $0x1;
	v10 =	vnsel vm2, $0x0, v10  }
0xf0: {  	v7 =	vsel vm1, v7, v10  }
0xf1: {  	[tilespmem:v6+s8+$0x0] =	vst.idx.add.f32.msk $0xff, v7  }
0xf2: {  	v6 =	vld.idx.msk [tilespmem:v8+s15+$0x0], $0xffff  }
0xf3: {  	v7 =	vld.idx.msk [tilespmem:v9+s15+$0x0], $0xffff;
	_ =	sdelay $0x4  }
0xf4: {  	v6 =	vshll.u32 v6, $0x1  }
0xf5: {  	v7 =	vshll.u32 v7, $0x4;
	v6 =	vadd.s32 v5, v6  }
0xf6: {  	v7 =	vor.u32 v1, v7;
	_ =	sdelay $0x3  }
0xf7: {  	v8 =	vld.idx.msk [tilespmem:v6+s8+$0x0], $0xffff  }
0xf8: {  	v7 =	vld.idx.msk [tilespmem:v7+s11+$0x0], $0xffff;
	_ =	sdelay $0x5  }
0xf9: {  	v8 =	vmul.f32 v8, v7;
	_ =	sdelay $0x1  }
0xfa: {  	v8 =	vsel vm0, $0x0, v8  }
0xfb: {  	(xrf2) =	vadd.scan.msk.f32 $0xffff, v8;
	_ =	sdelay $0x9  }
.Ltmp10:
0xfc: {  	v8, _, _ =	vpop (xrf2);
	(pc) =	sbr.rel @p1 .LBB2_11-.Ltmp10, $4  }
0xfd: {  	v11 =	vbroadcast v8, $0xF  }
0xfe: {  	s17 =	sadd.s32 $0x2, s17  }
0xff: {  	v8 =	vor.u32 s17, v4;
	v10 =	vmul.f32 v11, v7  }
0x100: {  	s18 =	sadd.s32 $0xFFFFFFFF, s18;
	v9 =	vmov s17;
	vm2 =	vlt.f32 v11, $0.0e+00  }
.Ltmp11:
0x101: {  	_ = 	snop;
	(pc) =	sbr.rel .LBB2_12-.Ltmp11, $1  }
0x102: {  	_ =	sdelay $0x3  }
.Lfunc_end2:
_tile_overlayer_lowered:
.L_overlay_start_2:
0x103: {  	(tag) =	ssettag $0x2  }
0x104: {  	s0 =	rddreg [dreg:$0x0];
	s2 =	stileid.u32  }
0x105: {  	s1 =	rddreg [dreg:$0x1];
	p0 =	sne.s32 s2, $0x0  }
0x106: {  	s3 =	rddreg [dreg:$0x2];
	[bflag:$0x3] =	sbarrier.arrive $0xFFFF;
	s2 =	simm.s32 @!p0 $0x1C01  }
0x107: {  	[timem:s3], [sflag:s2] =	dma.local @!p0 [hbm:s0], s1  }
0x108: {  	s0 =	simm.s32 @!p0 $0x1  }
0x109: {  	_ =	swait.ge @!p0 [sflag:s0], s1  }
0x10a: {  	s1 =	ssub.s32 @!p0 $0x0, s1;
	[sflag:s0] =	ssyncset.done @!p0 $0x0  }
0x10b: {  	[sflag:s0] =	ssyncadd.s32 @!p0 s1  }
0x10c: {  	[bflag:$0x3] =	sbarrier.arrive $0xFFFF  }
0x10d: {  	_ =	shalt  }

</sc_bundles>
